<compile_context>
chip_gen: v7x
topology: tpu7x:2x2x1
jax: 0.10.2.dev20260603
libtpu: 0.0.44.dev20260713+nightly
codegen_flags: <defaults>
</compile_context>

<pallas_src>
import jax
import jax.numpy as jnp
from jax import lax
from jax.experimental import pallas as pl
from jax.experimental.pallas import tpu as pltpu
from jax.experimental.pallas import tpu_sc as plsc

_EMB = 16
_HID = 128
_IN = 3217
_NWORDS = 200
_ROWS_PER_TILE = 8
_SLAB = _ROWS_PER_TILE * _IN
_AUX = 544

_mesh = plsc.VectorSubcoreMesh(
    core_axis_name="c", subcore_axis_name="s", num_cores=1
)

_SC_CFG = dict(
    out_type=jax.ShapeDtypeStruct((16,), jnp.float32),
    mesh=_mesh,
    compiler_params=pltpu.CompilerParams(
        needs_layout_passes=False, use_tc_tiling_on_sc=False
    ),
    scratch_types=[
        pltpu.VMEM((208,), jnp.int32),
        pltpu.VMEM((_NWORDS * 16,), jnp.int32),
        pltpu.VMEM((16,), jnp.int32),
        pltpu.VMEM((208, 128), jnp.float32),
        pltpu.VMEM((16,), jnp.float32),
        pltpu.VMEM((_SLAB,), jnp.float32),
        pltpu.VMEM((_AUX,), jnp.float32),
        pltpu.VMEM((16, 16), jnp.float32),
        pltpu.VMEM((16,), jnp.float32),
        pltpu.VMEM_SHARED((16, 16), jnp.float32),
        pltpu.SemaphoreType.DMA,
        pltpu.SemaphoreType.DMA,
        pltpu.SemaphoreType.DMA,
        pltpu.SemaphoreType.DMA,
        pltpu.SemaphoreType.DMA,
    ],
)


def _sc_body(spk_ref, w1_ref, ridx_ref, colidx_ref, sidx_ref,
             aux_ref, out_ref, ridx_v, colidx_v, sidx_v, rows_v, spk_v, w1_v,
             aux_v, psum_v, res_v, part_sh, sem0, sem1, sem2, sem3, sem4):
    s = lax.axis_index("s")

    pltpu.sync_copy(ridx_ref, ridx_v)
    pltpu.sync_copy(colidx_ref, colidx_v)
    pltpu.sync_copy(sidx_ref, sidx_v)
    cpa = pltpu.async_copy(aux_ref, aux_v, sem0)
    cp2 = pltpu.async_copy(spk_ref.at[sidx_v], spk_v, sem3)
    cpw = pltpu.async_copy(w1_ref.at[pl.ds(s * _SLAB, _SLAB)], w1_v, sem4)
    cpa.wait()
    cp2.wait()
    cpw.wait()

    x0 = spk_v[...]
    accs = tuple(
        w1_v[pl.ds(r * _IN, 16)] * x0 for r in range(_ROWS_PER_TILE)
    )

    def dot_body(j, accs):
        colvec = colidx_v[pl.ds((j - 1) * 16, 16)]
        rowvec = jnp.full((16,), j - 1, jnp.int32)
        xj = plsc.load_gather(rows_v, [rowvec, colvec])
        return tuple(
            accs[r] + w1_v[pl.ds(r * _IN + j * 16, 16)] * xj
            for r in range(_ROWS_PER_TILE)
        )

    accs = lax.fori_loop(1, _NWORDS + 1, dot_body, accs)

    qb = aux_v[pl.ds(512, 16)]
    quant = qb[0]
    bvec = aux_v[pl.ds(s * 16, 16)]
    w2vec = aux_v[pl.ds(256 + s * 16, 16)]
    partial = jnp.float32(0.0)
    for r in range(_ROWS_PER_TILE):
        wlast = w1_v[pl.ds(r * _IN + _IN - 16, 16)]
        h = jnp.sum(accs[r]) + quant * wlast[15] + bvec[r]
        h = jnp.maximum(h, 0.0)
        partial = partial + h * w2vec[r]

    res_v[...] = jnp.full((16,), partial, jnp.float32)
    pltpu.sync_copy(res_v, part_sh.at[s])
    plsc.subcore_barrier()

    @pl.when(s == 0)
    def _():
        pltpu.sync_copy(part_sh, psum_v)
        tot = psum_v[0]
        for i in range(1, 16):
            tot = tot + psum_v[i]
        z = tot + aux_v[pl.ds(512, 16)][1]
        res_v[...] = 1.0 / (1.0 + jnp.exp(-z))
        pltpu.sync_copy(res_v, out_ref)


_sc_forward = pl.kernel(_sc_body, **_SC_CFG)


def kernel(context_indices, speaker, col_three_indices, quant, sentiment,
           word_emb, speaker_emb, W1, b1, W2, b2):
    del sentiment
    ctx = context_indices.astype(jnp.int32)
    c3 = col_three_indices.astype(jnp.int32)
    words = jnp.concatenate([ctx, c3])
    words208 = jnp.concatenate([words, jnp.broadcast_to(c3, (8,))])
    ridx = words208 // 8
    lane = jnp.arange(16, dtype=jnp.int32)
    colidx = ((words % 8) * 16)[:, None] + lane[None, :]
    sidx = speaker.astype(jnp.int32) * 16 + lane
    b1p = jnp.pad(b1.reshape(16, 8), ((0, 0), (0, 8)))
    w2p = jnp.pad(W2.reshape(16, 8), ((0, 0), (0, 8)))
    aux = jnp.concatenate([
        b1p.reshape(-1), w2p.reshape(-1),
        quant.astype(jnp.float32), b2.astype(jnp.float32),
        jnp.zeros((_AUX - 514,), jnp.float32),
    ])
    out16 = _sc_forward(
        speaker_emb.reshape(-1),
        W1.reshape(-1),
        ridx,
        colidx.reshape(-1),
        sidx,
        aux,
    )
    return out16[:1].reshape(1, 1)

# --- scband reference (transcript-rebuilt; emitter-appended) ---
"""Pipeline reference for scband-ngram-language-modeler-18021682774719 (READ-ONLY COPY).

The authoritative reference and input builder live on the scoring server;
editing this copy changes nothing except your own understanding.
"""

import jax, jax.numpy as jnp
import numpy as np

VOCAB = 1000000
NUM_SPEAKERS = 1000
EMB = 16
CONTEXT = 200
HID = 128
IN_DIM = EMB + CONTEXT * EMB + 1  # 3217


def setup_inputs(seed: int = 0) -> dict:
    key = jax.random.key(seed)
    ks = jax.random.split(key, 10)
    context_indices = jax.random.randint(ks[0], (199,), 0, VOCAB, dtype=jnp.int64 if jax.config.jax_enable_x64 else jnp.int32)
    speaker = jax.random.randint(ks[1], (1,), 0, NUM_SPEAKERS)
    col_three_indices = jax.random.randint(ks[2], (1,), 0, VOCAB)
    quant = jax.random.uniform(ks[3], (1,), dtype=jnp.float32)
    sentiment = jax.random.randint(ks[4], (1,), 0, 2)
    word_emb = jax.random.normal(ks[5], (VOCAB, EMB), dtype=jnp.float32)
    speaker_emb = jax.random.normal(ks[6], (NUM_SPEAKERS, EMB), dtype=jnp.float32)
    W1 = jax.random.normal(ks[7], (HID, IN_DIM), dtype=jnp.float32) * (1.0 / np.sqrt(IN_DIM))
    b1 = jnp.zeros((HID,), dtype=jnp.float32)
    W2 = jax.random.normal(ks[8], (1, HID), dtype=jnp.float32) * (1.0 / np.sqrt(HID))
    b2 = jnp.zeros((1,), dtype=jnp.float32)
    return {
        "context_indices": context_indices,
        "speaker": speaker,
        "col_three_indices": col_three_indices,
        "quant": quant,
        "sentiment": sentiment,
        "word_emb": word_emb,
        "speaker_emb": speaker_emb,
        "W1": W1,
        "b1": b1,
        "W2": W2,
        "b2": b2,
    }


def reference(context_indices, speaker, col_three_indices, quant, sentiment,
              word_emb, speaker_emb, W1, b1, W2, b2):
    context_embeds = jnp.take(word_emb, context_indices, axis=0).reshape((1, -1))
    speaker_embed = jnp.take(speaker_emb, speaker, axis=0).reshape((1, -1))
    col_three_embeds = jnp.take(word_emb, col_three_indices, axis=0).reshape((1, -1))
    embeds_full = jnp.concatenate(
        (speaker_embed, context_embeds, col_three_embeds, quant.reshape((1, -1))), axis=1)
    out = jax.nn.relu(embeds_full @ W1.T + b1)
    out = out @ W2.T + b2
    log_probs = jax.nn.sigmoid(out)
    return log_probs

if __name__ == "__main__":
    import jax
    _d = setup_inputs()
    print(jax.jit(kernel)(*tuple(_d.values())))

</pallas_src>

<mosaic_0001>
#map = affine_map<(d0, d1) -> (0)>
module attributes {stable_mosaic.version = 14 : i64} {
  func.func @_sc_body(%arg0: i32, %arg1: i32, %arg2: memref<16000xf32, #tpu.memory_space<hbm>>, %arg3: memref<411776xf32, #tpu.memory_space<hbm>>, %arg4: memref<208xi32, #tpu.memory_space<hbm>>, %arg5: memref<3200xi32, #tpu.memory_space<hbm>>, %arg6: memref<16xi32, #tpu.memory_space<hbm>>, %arg7: memref<544xf32, #tpu.memory_space<hbm>>, %arg8: memref<16xf32, #tpu.memory_space<hbm>>, %arg9: memref<208xi32, #tpu.memory_space<vmem>>, %arg10: memref<3200xi32, #tpu.memory_space<vmem>>, %arg11: memref<16xi32, #tpu.memory_space<vmem>>, %arg12: memref<208x128xf32, #tpu.memory_space<vmem>>, %arg13: memref<16xf32, #tpu.memory_space<vmem>>, %arg14: memref<25736xf32, #tpu.memory_space<vmem>>, %arg15: memref<544xf32, #tpu.memory_space<vmem>>, %arg16: memref<16x16xf32, #tpu.memory_space<vmem>>, %arg17: memref<16xf32, #tpu.memory_space<vmem>>, %arg18: memref<16x16xf32, #tpu.memory_space<vmem_shared>>, %arg19: memref<!tpu.dma_semaphore, #tpu.memory_space<semaphore_mem>>, %arg20: memref<!tpu.dma_semaphore, #tpu.memory_space<semaphore_mem>>, %arg21: memref<!tpu.dma_semaphore, #tpu.memory_space<semaphore_mem>>, %arg22: memref<!tpu.dma_semaphore, #tpu.memory_space<semaphore_mem>>, %arg23: memref<!tpu.dma_semaphore, #tpu.memory_space<semaphore_mem>>) attributes {dimension_semantics = [#tpu.dimension_semantics<core_parallel>, #tpu.dimension_semantics<subcore_parallel>], iteration_bounds = array<i64: 1, 16>, scalar_prefetch = 0 : i64, scratch_operands = 15 : i64, tpu.core_type = #tpu.core_type<sc_vector_subcore>, window_params = [{transform_indices = #map}, {transform_indices = #map}, {transform_indices = #map}, {transform_indices = #map}, {transform_indices = #map}, {transform_indices = #map}, {transform_indices = #map}]} {
    "tpu.region"() ({
      %run_scoped3A = tpu.sem_alloc : memref<!tpu.dma_semaphore, #tpu.memory_space<semaphore_mem>>
      tpu.enqueue_dma source(%arg4 : memref<208xi32, #tpu.memory_space<hbm>>) target(%arg9 : memref<208xi32, #tpu.memory_space<vmem>>) target_semaphore(%run_scoped3A : memref<!tpu.dma_semaphore, #tpu.memory_space<semaphore_mem>>)
      tpu.wait_dma2 semaphore(%run_scoped3A : memref<!tpu.dma_semaphore, #tpu.memory_space<semaphore_mem>>) src(%arg4 : memref<208xi32, #tpu.memory_space<hbm>>) dst(%arg9 : memref<208xi32, #tpu.memory_space<vmem>>)
      tpu.yield
    }) : () -> ()
    "tpu.region"() ({
      %run_scoped3A = tpu.sem_alloc : memref<!tpu.dma_semaphore, #tpu.memory_space<semaphore_mem>>
      tpu.enqueue_dma source(%arg5 : memref<3200xi32, #tpu.memory_space<hbm>>) target(%arg10 : memref<3200xi32, #tpu.memory_space<vmem>>) target_semaphore(%run_scoped3A : memref<!tpu.dma_semaphore, #tpu.memory_space<semaphore_mem>>)
      tpu.wait_dma2 semaphore(%run_scoped3A : memref<!tpu.dma_semaphore, #tpu.memory_space<semaphore_mem>>) src(%arg5 : memref<3200xi32, #tpu.memory_space<hbm>>) dst(%arg10 : memref<3200xi32, #tpu.memory_space<vmem>>)
      tpu.yield
    }) : () -> ()
    "tpu.region"() ({
      %run_scoped3A = tpu.sem_alloc : memref<!tpu.dma_semaphore, #tpu.memory_space<semaphore_mem>>
      tpu.enqueue_dma source(%arg6 : memref<16xi32, #tpu.memory_space<hbm>>) target(%arg11 : memref<16xi32, #tpu.memory_space<vmem>>) target_semaphore(%run_scoped3A : memref<!tpu.dma_semaphore, #tpu.memory_space<semaphore_mem>>)
      tpu.wait_dma2 semaphore(%run_scoped3A : memref<!tpu.dma_semaphore, #tpu.memory_space<semaphore_mem>>) src(%arg6 : memref<16xi32, #tpu.memory_space<hbm>>) dst(%arg11 : memref<16xi32, #tpu.memory_space<vmem>>)
      tpu.yield
    }) : () -> ()
    tpu.enqueue_dma source(%arg7 : memref<544xf32, #tpu.memory_space<hbm>>) target(%arg15 : memref<544xf32, #tpu.memory_space<vmem>>) target_semaphore(%arg19 : memref<!tpu.dma_semaphore, #tpu.memory_space<semaphore_mem>>)
    %dma_start3A = arith.constant 0 : i32
    %dma_start3A_0 = tpu.memref_slice %arg2[%dma_start3A] : memref<16000xf32, #tpu.memory_space<hbm>> -> memref<16000xf32, #tpu.memory_space<hbm>>
    tpu.enqueue_indirect_dma source(%dma_start3A_0 : memref<16000xf32, #tpu.memory_space<hbm>>) target(%arg13 : memref<16xf32, #tpu.memory_space<vmem>>) offsets(%arg11 : memref<16xi32, #tpu.memory_space<vmem>>) semaphore(%arg22 : memref<!tpu.dma_semaphore, #tpu.memory_space<semaphore_mem>>)
    %mul3A = arith.constant 25736 : i32
    %mul3A_1 = arith.muli %arg1, %mul3A : i32
    %dma_start3A_2 = tpu.memref_slice %arg3[%mul3A_1] : memref<411776xf32, #tpu.memory_space<hbm>> -> memref<25736xf32, #tpu.memory_space<hbm>>
    %dma_start3A_3 = tpu.memref_slice %arg3[%mul3A_1] : memref<411776xf32, #tpu.memory_space<hbm>> -> memref<25736xf32, #tpu.memory_space<hbm>>
    tpu.enqueue_dma source(%dma_start3A_3 : memref<25736xf32, #tpu.memory_space<hbm>>) target(%arg14 : memref<25736xf32, #tpu.memory_space<vmem>>) target_semaphore(%arg23 : memref<!tpu.dma_semaphore, #tpu.memory_space<semaphore_mem>>)
    tpu.wait_dma2 semaphore(%arg19 : memref<!tpu.dma_semaphore, #tpu.memory_space<semaphore_mem>>) src(%arg7 : memref<544xf32, #tpu.memory_space<hbm>>) dst(%arg15 : memref<544xf32, #tpu.memory_space<vmem>>)
    %dma_wait3A = arith.constant 0 : i32
    %dma_wait3A_4 = tpu.memref_slice %arg2[%dma_wait3A] : memref<16000xf32, #tpu.memory_space<hbm>> -> memref<16000xf32, #tpu.memory_space<hbm>>
    tpu.wait_indirect_dma semaphore(%arg22 : memref<!tpu.dma_semaphore, #tpu.memory_space<semaphore_mem>>) src(%dma_wait3A_4 : memref<16000xf32, #tpu.memory_space<hbm>>) dst(%arg13 : memref<16xf32, #tpu.memory_space<vmem>>)
    %dma_wait3A_5 = tpu.memref_slice %arg3[%mul3A_1] : memref<411776xf32, #tpu.memory_space<hbm>> -> memref<25736xf32, #tpu.memory_space<hbm>>
    %dma_wait3A_6 = tpu.memref_slice %arg3[%mul3A_1] : memref<411776xf32, #tpu.memory_space<hbm>> -> memref<25736xf32, #tpu.memory_space<hbm>>
    tpu.wait_dma2 semaphore(%arg23 : memref<!tpu.dma_semaphore, #tpu.memory_space<semaphore_mem>>) src(%dma_wait3A_6 : memref<25736xf32, #tpu.memory_space<hbm>>) dst(%arg14 : memref<25736xf32, #tpu.memory_space<vmem>>)
    %get3A = arith.constant 0 : index
    %get3A_7 = tpu.vector_load %arg13[%get3A] {strides = array<i32>} : memref<16xf32, #tpu.memory_space<vmem>>, vector<16xf32>,
    %get3A_8 = arith.constant 0 : index
    %get3A_9 = tpu.vector_load %arg14[%get3A_8] {strides = array<i32>} : memref<25736xf32, #tpu.memory_space<vmem>>, vector<16xf32>,
    %mul3A_10 = arith.mulf %get3A_9, %get3A_7 : vector<16xf32>
    %get3A_11 = arith.constant 3217 : index
    %get3A_12 = tpu.vector_load %arg14[%get3A_11] {strides = array<i32>} : memref<25736xf32, #tpu.memory_space<vmem>>, vector<16xf32>,
    %mul3A_13 = arith.mulf %get3A_12, %get3A_7 : vector<16xf32>
    %get3A_14 = arith.constant 6434 : index
    %get3A_15 = tpu.vector_load %arg14[%get3A_14] {strides = array<i32>} : memref<25736xf32, #tpu.memory_space<vmem>>, vector<16xf32>,
    %mul3A_16 = arith.mulf %get3A_15, %get3A_7 : vector<16xf32>
    %get3A_17 = arith.constant 9651 : index
    %get3A_18 = tpu.vector_load %arg14[%get3A_17] {strides = array<i32>} : memref<25736xf32, #tpu.memory_space<vmem>>, vector<16xf32>,
    %mul3A_19 = arith.mulf %get3A_18, %get3A_7 : vector<16xf32>
    %get3A_20 = arith.constant 12868 : index
    %get3A_21 = tpu.vector_load %arg14[%get3A_20] {strides = array<i32>} : memref<25736xf32, #tpu.memory_space<vmem>>, vector<16xf32>,
    %mul3A_22 = arith.mulf %get3A_21, %get3A_7 : vector<16xf32>
    %get3A_23 = arith.constant 16085 : index
    %get3A_24 = tpu.vector_load %arg14[%get3A_23] {strides = array<i32>} : memref<25736xf32, #tpu.memory_space<vmem>>, vector<16xf32>,
    %mul3A_25 = arith.mulf %get3A_24, %get3A_7 : vector<16xf32>
    %get3A_26 = arith.constant 19302 : index
    %get3A_27 = tpu.vector_load %arg14[%get3A_26] {strides = array<i32>} : memref<25736xf32, #tpu.memory_space<vmem>>, vector<16xf32>,
    %mul3A_28 = arith.mulf %get3A_27, %get3A_7 : vector<16xf32>
    %get3A_29 = arith.constant 22519 : index
    %get3A_30 = tpu.vector_load %arg14[%get3A_29] {strides = array<i32>} : memref<25736xf32, #tpu.memory_space<vmem>>, vector<16xf32>,
    %mul3A_31 = arith.mulf %get3A_30, %get3A_7 : vector<16xf32>
    %scan3A = arith.constant 1 : i32
    %scan3A_32 = arith.constant 200 : i32
    %scan3A_33 = arith.addi %scan3A, %scan3A_32 : i32
    %scan3A_34 = arith.constant 1 : i32
    %scan3A_35:8 = scf.for %scan3A_202 = %scan3A to %scan3A_33 step %scan3A_34 iter_args(%scan3A_203 = %mul3A_10, %scan3A_204 = %mul3A_13, %scan3A_205 = %mul3A_16, %scan3A_206 = %mul3A_19, %scan3A_207 = %mul3A_22, %scan3A_208 = %mul3A_25, %scan3A_209 = %mul3A_28, %scan3A_210 = %mul3A_31) -> (vector<16xf32>, vector<16xf32>, vector<16xf32>, vector<16xf32>, vector<16xf32>, vector<16xf32>, vector<16xf32>, vector<16xf32>)  : i32 {
      %sub3A = arith.constant 1 : i32
      %sub3A_211 = arith.subi %scan3A_202, %sub3A : i32
      %mul3A_212 = arith.constant 16 : i32
      %mul3A_213 = arith.muli %sub3A_211, %mul3A_212 : i32
      %get3A_214 = arith.index_cast %mul3A_213 : i32 to index
      %get3A_215 = tpu.vector_load %arg10[%get3A_214] {strides = array<i32>} : memref<3200xi32, #tpu.memory_space<vmem>>, vector<16xi32>,
      %sub3A_216 = arith.constant 1 : i32
      %sub3A_217 = arith.subi %scan3A_202, %sub3A_216 : i32
      %broadcast_in_dim3A_218 = vector.broadcast %sub3A_217 : i32 to vector<16xi32>
      %gather3A = tpu.vector_load_idx %arg12[%broadcast_in_dim3A_218, %get3A_215] : memref<208x128xf32, #tpu.memory_space<vmem>>[vector<16xi32>, vector<16xi32>], vector<16xf32>,
      %mul3A_219 = arith.constant 16 : i32
      %mul3A_220 = arith.muli %scan3A_202, %mul3A_219 : i32
      %add3A_221 = arith.constant 0 : i32
      %add3A_222 = arith.addi %add3A_221, %mul3A_220 : i32
      %get3A_223 = arith.index_cast %add3A_222 : i32 to index
      %get3A_224 = tpu.vector_load %arg14[%get3A_223] {strides = array<i32>} : memref<25736xf32, #tpu.memory_space<vmem>>, vector<16xf32>,
      %mul3A_225 = arith.mulf %get3A_224, %gather3A : vector<16xf32>
      %add3A_226 = arith.addf %scan3A_203, %mul3A_225 : vector<16xf32>
      %mul3A_227 = arith.constant 16 : i32
      %mul3A_228 = arith.muli %scan3A_202, %mul3A_227 : i32
      %add3A_229 = arith.constant 3217 : i32
      %add3A_230 = arith.addi %add3A_229, %mul3A_228 : i32
      %get3A_231 = arith.index_cast %add3A_230 : i32 to index
      %get3A_232 = tpu.vector_load %arg14[%get3A_231] {strides = array<i32>} : memref<25736xf32, #tpu.memory_space<vmem>>, vector<16xf32>,
      %mul3A_233 = arith.mulf %get3A_232, %gather3A : vector<16xf32>
      %add3A_234 = arith.addf %scan3A_204, %mul3A_233 : vector<16xf32>
      %mul3A_235 = arith.constant 16 : i32
      %mul3A_236 = arith.muli %scan3A_202, %mul3A_235 : i32
      %add3A_237 = arith.constant 6434 : i32
      %add3A_238 = arith.addi %add3A_237, %mul3A_236 : i32
      %get3A_239 = arith.index_cast %add3A_238 : i32 to index
      %get3A_240 = tpu.vector_load %arg14[%get3A_239] {strides = array<i32>} : memref<25736xf32, #tpu.memory_space<vmem>>, vector<16xf32>,
      %mul3A_241 = arith.mulf %get3A_240, %gather3A : vector<16xf32>
      %add3A_242 = arith.addf %scan3A_205, %mul3A_241 : vector<16xf32>
      %mul3A_243 = arith.constant 16 : i32
      %mul3A_244 = arith.muli %scan3A_202, %mul3A_243 : i32
      %add3A_245 = arith.constant 9651 : i32
      %add3A_246 = arith.addi %add3A_245, %mul3A_244 : i32
      %get3A_247 = arith.index_cast %add3A_246 : i32 to index
      %get3A_248 = tpu.vector_load %arg14[%get3A_247] {strides = array<i32>} : memref<25736xf32, #tpu.memory_space<vmem>>, vector<16xf32>,
      %mul3A_249 = arith.mulf %get3A_248, %gather3A : vector<16xf32>
      %add3A_250 = arith.addf %scan3A_206, %mul3A_249 : vector<16xf32>
      %mul3A_251 = arith.constant 16 : i32
      %mul3A_252 = arith.muli %scan3A_202, %mul3A_251 : i32
      %add3A_253 = arith.constant 12868 : i32
      %add3A_254 = arith.addi %add3A_253, %mul3A_252 : i32
      %get3A_255 = arith.index_cast %add3A_254 : i32 to index
      %get3A_256 = tpu.vector_load %arg14[%get3A_255] {strides = array<i32>} : memref<25736xf32, #tpu.memory_space<vmem>>, vector<16xf32>,
      %mul3A_257 = arith.mulf %get3A_256, %gather3A : vector<16xf32>
      %add3A_258 = arith.addf %scan3A_207, %mul3A_257 : vector<16xf32>
      %mul3A_259 = arith.constant 16 : i32
      %mul3A_260 = arith.muli %scan3A_202, %mul3A_259 : i32
      %add3A_261 = arith.constant 16085 : i32
      %add3A_262 = arith.addi %add3A_261, %mul3A_260 : i32
      %get3A_263 = arith.index_cast %add3A_262 : i32 to index
      %get3A_264 = tpu.vector_load %arg14[%get3A_263] {strides = array<i32>} : memref<25736xf32, #tpu.memory_space<vmem>>, vector<16xf32>,
      %mul3A_265 = arith.mulf %get3A_264, %gather3A : vector<16xf32>
      %add3A_266 = arith.addf %scan3A_208, %mul3A_265 : vector<16xf32>
      %mul3A_267 = arith.constant 16 : i32
      %mul3A_268 = arith.muli %scan3A_202, %mul3A_267 : i32
      %add3A_269 = arith.constant 19302 : i32
      %add3A_270 = arith.addi %add3A_269, %mul3A_268 : i32
      %get3A_271 = arith.index_cast %add3A_270 : i32 to index
      %get3A_272 = tpu.vector_load %arg14[%get3A_271] {strides = array<i32>} : memref<25736xf32, #tpu.memory_space<vmem>>, vector<16xf32>,
      %mul3A_273 = arith.mulf %get3A_272, %gather3A : vector<16xf32>
      %add3A_274 = arith.addf %scan3A_209, %mul3A_273 : vector<16xf32>
      %mul3A_275 = arith.constant 16 : i32
      %mul3A_276 = arith.muli %scan3A_202, %mul3A_275 : i32
      %add3A_277 = arith.constant 22519 : i32
      %add3A_278 = arith.addi %add3A_277, %mul3A_276 : i32
      %get3A_279 = arith.index_cast %add3A_278 : i32 to index
      %get3A_280 = tpu.vector_load %arg14[%get3A_279] {strides = array<i32>} : memref<25736xf32, #tpu.memory_space<vmem>>, vector<16xf32>,
      %mul3A_281 = arith.mulf %get3A_280, %gather3A : vector<16xf32>
      %add3A_282 = arith.addf %scan3A_210, %mul3A_281 : vector<16xf32>
      scf.yield %add3A_226, %add3A_234, %add3A_242, %add3A_250, %add3A_258, %add3A_266, %add3A_274, %add3A_282 : vector<16xf32>, vector<16xf32>, vector<16xf32>, vector<16xf32>, vector<16xf32>, vector<16xf32>, vector<16xf32>, vector<16xf32>
    }
    %scan3A_36 = arith.constant 200 : i32
    %get3A_37 = arith.constant 512 : index
    %get3A_38 = tpu.vector_load %arg15[%get3A_37] {strides = array<i32>} : memref<544xf32, #tpu.memory_space<vmem>>, vector<16xf32>,
    %slice3A = vector.extract_strided_slice %get3A_38 {offsets = [0], sizes = [1], strides = [1]} : vector<16xf32> to vector<1xf32>
    %squeeze3A = vector.extract %slice3A[0] : f32 from vector<1xf32>
    %mul3A_39 = arith.constant 16 : i32
    %mul3A_40 = arith.muli %arg1, %mul3A_39 : i32
    %get3A_41 = arith.index_cast %mul3A_40 : i32 to index
    %get3A_42 = tpu.vector_load %arg15[%get3A_41] {strides = array<i32>} : memref<544xf32, #tpu.memory_space<vmem>>, vector<16xf32>,
    %mul3A_43 = arith.constant 16 : i32
    %mul3A_44 = arith.muli %arg1, %mul3A_43 : i32
    %add3A = arith.constant 256 : i32
    %add3A_45 = arith.addi %add3A, %mul3A_44 : i32
    %get3A_46 = arith.index_cast %add3A_45 : i32 to index
    %get3A_47 = tpu.vector_load %arg15[%get3A_46] {strides = array<i32>} : memref<544xf32, #tpu.memory_space<vmem>>, vector<16xf32>,
    %get3A_48 = arith.constant 3201 : index
    %get3A_49 = tpu.vector_load %arg14[%get3A_48] {strides = array<i32>} : memref<25736xf32, #tpu.memory_space<vmem>>, vector<16xf32>,
    %reduce_sum3A = arith.constant true
    %reduce_sum3A_50 = vector.broadcast %reduce_sum3A : i1 to vector<16xi1>
    %reduce_sum3A_51 = tpu.scan <sum>, %scan3A_35#0 masked %reduce_sum3A_50 : vector<16xf32>, vector<16xi1> -> vector<16xf32>
    %reduce_sum3A_52 = vector.extract %reduce_sum3A_51[15] : f32 from vector<16xf32>
    %slice3A_53 = vector.extract_strided_slice %get3A_49 {offsets = [15], sizes = [1], strides = [1]} : vector<16xf32> to vector<1xf32>
    %squeeze3A_54 = vector.extract %slice3A_53[0] : f32 from vector<1xf32>
    %mul3A_55 = arith.mulf %squeeze3A, %squeeze3A_54 : f32
    %add3A_56 = arith.addf %reduce_sum3A_52, %mul3A_55 : f32
    %slice3A_57 = vector.extract_strided_slice %get3A_42 {offsets = [0], sizes = [1], strides = [1]} : vector<16xf32> to vector<1xf32>
    %squeeze3A_58 = vector.extract %slice3A_57[0] : f32 from vector<1xf32>
    %add3A_59 = arith.addf %add3A_56, %squeeze3A_58 : f32
    %max3A = arith.constant 0.000000e+00 : f32
    %max3A_60 = arith.maximumf %add3A_59, %max3A : f32
    %slice3A_61 = vector.extract_strided_slice %get3A_47 {offsets = [0], sizes = [1], strides = [1]} : vector<16xf32> to vector<1xf32>
    %squeeze3A_62 = vector.extract %slice3A_61[0] : f32 from vector<1xf32>
    %mul3A_63 = arith.mulf %max3A_60, %squeeze3A_62 : f32
    %add3A_64 = arith.constant 0.000000e+00 : f32
    %add3A_65 = arith.addf %add3A_64, %mul3A_63 : f32
    %get3A_66 = arith.constant 6418 : index
    %get3A_67 = tpu.vector_load %arg14[%get3A_66] {strides = array<i32>} : memref<25736xf32, #tpu.memory_space<vmem>>, vector<16xf32>,
    %reduce_sum3A_68 = arith.constant true
    %reduce_sum3A_69 = vector.broadcast %reduce_sum3A_68 : i1 to vector<16xi1>
    %reduce_sum3A_70 = tpu.scan <sum>, %scan3A_35#1 masked %reduce_sum3A_69 : vector<16xf32>, vector<16xi1> -> vector<16xf32>
    %reduce_sum3A_71 = vector.extract %reduce_sum3A_70[15] : f32 from vector<16xf32>
    %slice3A_72 = vector.extract_strided_slice %get3A_67 {offsets = [15], sizes = [1], strides = [1]} : vector<16xf32> to vector<1xf32>
    %squeeze3A_73 = vector.extract %slice3A_72[0] : f32 from vector<1xf32>
    %mul3A_74 = arith.mulf %squeeze3A, %squeeze3A_73 : f32
    %add3A_75 = arith.addf %reduce_sum3A_71, %mul3A_74 : f32
    %slice3A_76 = vector.extract_strided_slice %get3A_42 {offsets = [1], sizes = [1], strides = [1]} : vector<16xf32> to vector<1xf32>
    %squeeze3A_77 = vector.extract %slice3A_76[0] : f32 from vector<1xf32>
    %add3A_78 = arith.addf %add3A_75, %squeeze3A_77 : f32
    %max3A_79 = arith.constant 0.000000e+00 : f32
    %max3A_80 = arith.maximumf %add3A_78, %max3A_79 : f32
    %slice3A_81 = vector.extract_strided_slice %get3A_47 {offsets = [1], sizes = [1], strides = [1]} : vector<16xf32> to vector<1xf32>
    %squeeze3A_82 = vector.extract %slice3A_81[0] : f32 from vector<1xf32>
    %mul3A_83 = arith.mulf %max3A_80, %squeeze3A_82 : f32
    %add3A_84 = arith.addf %add3A_65, %mul3A_83 : f32
    %get3A_85 = arith.constant 9635 : index
    %get3A_86 = tpu.vector_load %arg14[%get3A_85] {strides = array<i32>} : memref<25736xf32, #tpu.memory_space<vmem>>, vector<16xf32>,
    %reduce_sum3A_87 = arith.constant true
    %reduce_sum3A_88 = vector.broadcast %reduce_sum3A_87 : i1 to vector<16xi1>
    %reduce_sum3A_89 = tpu.scan <sum>, %scan3A_35#2 masked %reduce_sum3A_88 : vector<16xf32>, vector<16xi1> -> vector<16xf32>
    %reduce_sum3A_90 = vector.extract %reduce_sum3A_89[15] : f32 from vector<16xf32>
    %slice3A_91 = vector.extract_strided_slice %get3A_86 {offsets = [15], sizes = [1], strides = [1]} : vector<16xf32> to vector<1xf32>
    %squeeze3A_92 = vector.extract %slice3A_91[0] : f32 from vector<1xf32>
    %mul3A_93 = arith.mulf %squeeze3A, %squeeze3A_92 : f32
    %add3A_94 = arith.addf %reduce_sum3A_90, %mul3A_93 : f32
    %slice3A_95 = vector.extract_strided_slice %get3A_42 {offsets = [2], sizes = [1], strides = [1]} : vector<16xf32> to vector<1xf32>
    %squeeze3A_96 = vector.extract %slice3A_95[0] : f32 from vector<1xf32>
    %add3A_97 = arith.addf %add3A_94, %squeeze3A_96 : f32
    %max3A_98 = arith.constant 0.000000e+00 : f32
    %max3A_99 = arith.maximumf %add3A_97, %max3A_98 : f32
    %slice3A_100 = vector.extract_strided_slice %get3A_47 {offsets = [2], sizes = [1], strides = [1]} : vector<16xf32> to vector<1xf32>
    %squeeze3A_101 = vector.extract %slice3A_100[0] : f32 from vector<1xf32>
    %mul3A_102 = arith.mulf %max3A_99, %squeeze3A_101 : f32
    %add3A_103 = arith.addf %add3A_84, %mul3A_102 : f32
    %get3A_104 = arith.constant 12852 : index
    %get3A_105 = tpu.vector_load %arg14[%get3A_104] {strides = array<i32>} : memref<25736xf32, #tpu.memory_space<vmem>>, vector<16xf32>,
    %reduce_sum3A_106 = arith.constant true
    %reduce_sum3A_107 = vector.broadcast %reduce_sum3A_106 : i1 to vector<16xi1>
    %reduce_sum3A_108 = tpu.scan <sum>, %scan3A_35#3 masked %reduce_sum3A_107 : vector<16xf32>, vector<16xi1> -> vector<16xf32>
    %reduce_sum3A_109 = vector.extract %reduce_sum3A_108[15] : f32 from vector<16xf32>
    %slice3A_110 = vector.extract_strided_slice %get3A_105 {offsets = [15], sizes = [1], strides = [1]} : vector<16xf32> to vector<1xf32>
    %squeeze3A_111 = vector.extract %slice3A_110[0] : f32 from vector<1xf32>
    %mul3A_112 = arith.mulf %squeeze3A, %squeeze3A_111 : f32
    %add3A_113 = arith.addf %reduce_sum3A_109, %mul3A_112 : f32
    %slice3A_114 = vector.extract_strided_slice %get3A_42 {offsets = [3], sizes = [1], strides = [1]} : vector<16xf32> to vector<1xf32>
    %squeeze3A_115 = vector.extract %slice3A_114[0] : f32 from vector<1xf32>
    %add3A_116 = arith.addf %add3A_113, %squeeze3A_115 : f32
    %max3A_117 = arith.constant 0.000000e+00 : f32
    %max3A_118 = arith.maximumf %add3A_116, %max3A_117 : f32
    %slice3A_119 = vector.extract_strided_slice %get3A_47 {offsets = [3], sizes = [1], strides = [1]} : vector<16xf32> to vector<1xf32>
    %squeeze3A_120 = vector.extract %slice3A_119[0] : f32 from vector<1xf32>
    %mul3A_121 = arith.mulf %max3A_118, %squeeze3A_120 : f32
    %add3A_122 = arith.addf %add3A_103, %mul3A_121 : f32
    %get3A_123 = arith.constant 16069 : index
    %get3A_124 = tpu.vector_load %arg14[%get3A_123] {strides = array<i32>} : memref<25736xf32, #tpu.memory_space<vmem>>, vector<16xf32>,
    %reduce_sum3A_125 = arith.constant true
    %reduce_sum3A_126 = vector.broadcast %reduce_sum3A_125 : i1 to vector<16xi1>
    %reduce_sum3A_127 = tpu.scan <sum>, %scan3A_35#4 masked %reduce_sum3A_126 : vector<16xf32>, vector<16xi1> -> vector<16xf32>
    %reduce_sum3A_128 = vector.extract %reduce_sum3A_127[15] : f32 from vector<16xf32>
    %slice3A_129 = vector.extract_strided_slice %get3A_124 {offsets = [15], sizes = [1], strides = [1]} : vector<16xf32> to vector<1xf32>
    %squeeze3A_130 = vector.extract %slice3A_129[0] : f32 from vector<1xf32>
    %mul3A_131 = arith.mulf %squeeze3A, %squeeze3A_130 : f32
    %add3A_132 = arith.addf %reduce_sum3A_128, %mul3A_131 : f32
    %slice3A_133 = vector.extract_strided_slice %get3A_42 {offsets = [4], sizes = [1], strides = [1]} : vector<16xf32> to vector<1xf32>
    %squeeze3A_134 = vector.extract %slice3A_133[0] : f32 from vector<1xf32>
    %add3A_135 = arith.addf %add3A_132, %squeeze3A_134 : f32
    %max3A_136 = arith.constant 0.000000e+00 : f32
    %max3A_137 = arith.maximumf %add3A_135, %max3A_136 : f32
    %slice3A_138 = vector.extract_strided_slice %get3A_47 {offsets = [4], sizes = [1], strides = [1]} : vector<16xf32> to vector<1xf32>
    %squeeze3A_139 = vector.extract %slice3A_138[0] : f32 from vector<1xf32>
    %mul3A_140 = arith.mulf %max3A_137, %squeeze3A_139 : f32
    %add3A_141 = arith.addf %add3A_122, %mul3A_140 : f32
    %get3A_142 = arith.constant 19286 : index
    %get3A_143 = tpu.vector_load %arg14[%get3A_142] {strides = array<i32>} : memref<25736xf32, #tpu.memory_space<vmem>>, vector<16xf32>,
    %reduce_sum3A_144 = arith.constant true
    %reduce_sum3A_145 = vector.broadcast %reduce_sum3A_144 : i1 to vector<16xi1>
    %reduce_sum3A_146 = tpu.scan <sum>, %scan3A_35#5 masked %reduce_sum3A_145 : vector<16xf32>, vector<16xi1> -> vector<16xf32>
    %reduce_sum3A_147 = vector.extract %reduce_sum3A_146[15] : f32 from vector<16xf32>
    %slice3A_148 = vector.extract_strided_slice %get3A_143 {offsets = [15], sizes = [1], strides = [1]} : vector<16xf32> to vector<1xf32>
    %squeeze3A_149 = vector.extract %slice3A_148[0] : f32 from vector<1xf32>
    %mul3A_150 = arith.mulf %squeeze3A, %squeeze3A_149 : f32
    %add3A_151 = arith.addf %reduce_sum3A_147, %mul3A_150 : f32
    %slice3A_152 = vector.extract_strided_slice %get3A_42 {offsets = [5], sizes = [1], strides = [1]} : vector<16xf32> to vector<1xf32>
    %squeeze3A_153 = vector.extract %slice3A_152[0] : f32 from vector<1xf32>
    %add3A_154 = arith.addf %add3A_151, %squeeze3A_153 : f32
    %max3A_155 = arith.constant 0.000000e+00 : f32
    %max3A_156 = arith.maximumf %add3A_154, %max3A_155 : f32
    %slice3A_157 = vector.extract_strided_slice %get3A_47 {offsets = [5], sizes = [1], strides = [1]} : vector<16xf32> to vector<1xf32>
    %squeeze3A_158 = vector.extract %slice3A_157[0] : f32 from vector<1xf32>
    %mul3A_159 = arith.mulf %max3A_156, %squeeze3A_158 : f32
    %add3A_160 = arith.addf %add3A_141, %mul3A_159 : f32
    %get3A_161 = arith.constant 22503 : index
    %get3A_162 = tpu.vector_load %arg14[%get3A_161] {strides = array<i32>} : memref<25736xf32, #tpu.memory_space<vmem>>, vector<16xf32>,
    %reduce_sum3A_163 = arith.constant true
    %reduce_sum3A_164 = vector.broadcast %reduce_sum3A_163 : i1 to vector<16xi1>
    %reduce_sum3A_165 = tpu.scan <sum>, %scan3A_35#6 masked %reduce_sum3A_164 : vector<16xf32>, vector<16xi1> -> vector<16xf32>
    %reduce_sum3A_166 = vector.extract %reduce_sum3A_165[15] : f32 from vector<16xf32>
    %slice3A_167 = vector.extract_strided_slice %get3A_162 {offsets = [15], sizes = [1], strides = [1]} : vector<16xf32> to vector<1xf32>
    %squeeze3A_168 = vector.extract %slice3A_167[0] : f32 from vector<1xf32>
    %mul3A_169 = arith.mulf %squeeze3A, %squeeze3A_168 : f32
    %add3A_170 = arith.addf %reduce_sum3A_166, %mul3A_169 : f32
    %slice3A_171 = vector.extract_strided_slice %get3A_42 {offsets = [6], sizes = [1], strides = [1]} : vector<16xf32> to vector<1xf32>
    %squeeze3A_172 = vector.extract %slice3A_171[0] : f32 from vector<1xf32>
    %add3A_173 = arith.addf %add3A_170, %squeeze3A_172 : f32
    %max3A_174 = arith.constant 0.000000e+00 : f32
    %max3A_175 = arith.maximumf %add3A_173, %max3A_174 : f32
    %slice3A_176 = vector.extract_strided_slice %get3A_47 {offsets = [6], sizes = [1], strides = [1]} : vector<16xf32> to vector<1xf32>
    %squeeze3A_177 = vector.extract %slice3A_176[0] : f32 from vector<1xf32>
    %mul3A_178 = arith.mulf %max3A_175, %squeeze3A_177 : f32
    %add3A_179 = arith.addf %add3A_160, %mul3A_178 : f32
    %get3A_180 = arith.constant 25720 : index
    %get3A_181 = tpu.vector_load %arg14[%get3A_180] {strides = array<i32>} : memref<25736xf32, #tpu.memory_space<vmem>>, vector<16xf32>,
    %reduce_sum3A_182 = arith.constant true
    %reduce_sum3A_183 = vector.broadcast %reduce_sum3A_182 : i1 to vector<16xi1>
    %reduce_sum3A_184 = tpu.scan <sum>, %scan3A_35#7 masked %reduce_sum3A_183 : vector<16xf32>, vector<16xi1> -> vector<16xf32>
    %reduce_sum3A_185 = vector.extract %reduce_sum3A_184[15] : f32 from vector<16xf32>
    %slice3A_186 = vector.extract_strided_slice %get3A_181 {offsets = [15], sizes = [1], strides = [1]} : vector<16xf32> to vector<1xf32>
    %squeeze3A_187 = vector.extract %slice3A_186[0] : f32 from vector<1xf32>
    %mul3A_188 = arith.mulf %squeeze3A, %squeeze3A_187 : f32
    %add3A_189 = arith.addf %reduce_sum3A_185, %mul3A_188 : f32
    %slice3A_190 = vector.extract_strided_slice %get3A_42 {offsets = [7], sizes = [1], strides = [1]} : vector<16xf32> to vector<1xf32>
    %squeeze3A_191 = vector.extract %slice3A_190[0] : f32 from vector<1xf32>
    %add3A_192 = arith.addf %add3A_189, %squeeze3A_191 : f32
    %max3A_193 = arith.constant 0.000000e+00 : f32
    %max3A_194 = arith.maximumf %add3A_192, %max3A_193 : f32
    %slice3A_195 = vector.extract_strided_slice %get3A_47 {offsets = [7], sizes = [1], strides = [1]} : vector<16xf32> to vector<1xf32>
    %squeeze3A_196 = vector.extract %slice3A_195[0] : f32 from vector<1xf32>
    %mul3A_197 = arith.mulf %max3A_194, %squeeze3A_196 : f32
    %add3A_198 = arith.addf %add3A_179, %mul3A_197 : f32
    %broadcast_in_dim3A = vector.broadcast %add3A_198 : f32 to vector<16xf32>
    %swap3A = arith.constant 0 : index
    %swap3A_199 = tpu.vector_load %arg17[%swap3A] {strides = array<i32>} : memref<16xf32, #tpu.memory_space<vmem>>, vector<16xf32>,
    tpu.vector_store %arg17[%swap3A], %broadcast_in_dim3A {strides = array<i32>} : memref<16xf32, #tpu.memory_space<vmem>>, vector<16xf32>,
    "tpu.region"() ({
      %run_scoped3A = tpu.sem_alloc : memref<!tpu.dma_semaphore, #tpu.memory_space<semaphore_mem>>
      %dma_start3A_202 = arith.constant 0 : i32
      %dma_start3A_203 = tpu.memref_slice %arg18[%arg1, %dma_start3A_202] : memref<16x16xf32, #tpu.memory_space<vmem_shared>> -> memref<1x16xf32, #tpu.memory_space<vmem_shared>>
      %dma_start3A_204 = tpu.memref_squeeze %dma_start3A_203 : memref<1x16xf32, #tpu.memory_space<vmem_shared>> -> memref<16xf32, #tpu.memory_space<vmem_shared>>
      %dma_start3A_205 = arith.constant 0 : i32
      %dma_start3A_206 = tpu.memref_slice %arg18[%arg1, %dma_start3A_205] : memref<16x16xf32, #tpu.memory_space<vmem_shared>> -> memref<1x16xf32, #tpu.memory_space<vmem_shared>>
      %dma_start3A_207 = tpu.memref_squeeze %dma_start3A_206 : memref<1x16xf32, #tpu.memory_space<vmem_shared>> -> memref<16xf32, #tpu.memory_space<vmem_shared>>
      tpu.enqueue_dma source(%arg17 : memref<16xf32, #tpu.memory_space<vmem>>) target(%dma_start3A_207 : memref<16xf32, #tpu.memory_space<vmem_shared>>) target_semaphore(%run_scoped3A : memref<!tpu.dma_semaphore, #tpu.memory_space<semaphore_mem>>)
      %dma_wait3A_208 = arith.constant 0 : i32
      %dma_wait3A_209 = tpu.memref_slice %arg18[%arg1, %dma_wait3A_208] : memref<16x16xf32, #tpu.memory_space<vmem_shared>> -> memref<1x16xf32, #tpu.memory_space<vmem_shared>>
      %dma_wait3A_210 = tpu.memref_squeeze %dma_wait3A_209 : memref<1x16xf32, #tpu.memory_space<vmem_shared>> -> memref<16xf32, #tpu.memory_space<vmem_shared>>
      %dma_wait3A_211 = arith.constant 0 : i32
      %dma_wait3A_212 = tpu.memref_slice %arg18[%arg1, %dma_wait3A_211] : memref<16x16xf32, #tpu.memory_space<vmem_shared>> -> memref<1x16xf32, #tpu.memory_space<vmem_shared>>
      %dma_wait3A_213 = tpu.memref_squeeze %dma_wait3A_212 : memref<1x16xf32, #tpu.memory_space<vmem_shared>> -> memref<16xf32, #tpu.memory_space<vmem_shared>>
      tpu.wait_dma2 semaphore(%run_scoped3A : memref<!tpu.dma_semaphore, #tpu.memory_space<semaphore_mem>>) src(%arg17 : memref<16xf32, #tpu.memory_space<vmem>>) dst(%dma_wait3A_213 : memref<16xf32, #tpu.memory_space<vmem_shared>>)
      tpu.yield
    }) : () -> ()
    %barrier3A = arith.constant 0 : index
    tpu.barrier barrier_id(%barrier3A)
    %eq3A = arith.constant 0 : i32
    %eq3A_200 = arith.cmpi eq, %arg1, %eq3A : i32
    %convert_element_type3A = arith.extui %eq3A_200 : i1 to i32
    %cond3A = arith.constant 0 : i32
    %cond3A_201 = arith.cmpi ne, %convert_element_type3A, %cond3A : i32
    scf.if %cond3A_201 {
      "tpu.region"() ({
        %run_scoped3A = tpu.sem_alloc : memref<!tpu.dma_semaphore, #tpu.memory_space<semaphore_mem>>
        tpu.enqueue_dma source(%arg18 : memref<16x16xf32, #tpu.memory_space<vmem_shared>>) target(%arg16 : memref<16x16xf32, #tpu.memory_space<vmem>>) target_semaphore(%run_scoped3A : memref<!tpu.dma_semaphore, #tpu.memory_space<semaphore_mem>>)
        tpu.wait_dma2 semaphore(%run_scoped3A : memref<!tpu.dma_semaphore, #tpu.memory_space<semaphore_mem>>) src(%arg18 : memref<16x16xf32, #tpu.memory_space<vmem_shared>>) dst(%arg16 : memref<16x16xf32, #tpu.memory_space<vmem>>)
        tpu.yield
      }) : () -> ()
      %get3A_202 = arith.constant 0 : i32
      %get3A_203 = arith.index_cast %get3A_202 : i32 to index
      %get3A_204 = arith.constant 0 : index
      %get3A_205 = tpu.vector_load %arg16[%get3A_203, %get3A_204] {strides = array<i32>} : memref<16x16xf32, #tpu.memory_space<vmem>>, vector<16xf32>,
      %get3A_206 = arith.constant 1 : i32
      %get3A_207 = arith.index_cast %get3A_206 : i32 to index
      %get3A_208 = arith.constant 0 : index
      %get3A_209 = tpu.vector_load %arg16[%get3A_207, %get3A_208] {strides = array<i32>} : memref<16x16xf32, #tpu.memory_space<vmem>>, vector<16xf32>,
      %add3A_210 = arith.addf %get3A_205, %get3A_209 : vector<16xf32>
      %get3A_211 = arith.constant 2 : i32
      %get3A_212 = arith.index_cast %get3A_211 : i32 to index
      %get3A_213 = arith.constant 0 : index
      %get3A_214 = tpu.vector_load %arg16[%get3A_212, %get3A_213] {strides = array<i32>} : memref<16x16xf32, #tpu.memory_space<vmem>>, vector<16xf32>,
      %add3A_215 = arith.addf %add3A_210, %get3A_214 : vector<16xf32>
      %get3A_216 = arith.constant 3 : i32
      %get3A_217 = arith.index_cast %get3A_216 : i32 to index
      %get3A_218 = arith.constant 0 : index
      %get3A_219 = tpu.vector_load %arg16[%get3A_217, %get3A_218] {strides = array<i32>} : memref<16x16xf32, #tpu.memory_space<vmem>>, vector<16xf32>,
      %add3A_220 = arith.addf %add3A_215, %get3A_219 : vector<16xf32>
      %get3A_221 = arith.constant 4 : i32
      %get3A_222 = arith.index_cast %get3A_221 : i32 to index
      %get3A_223 = arith.constant 0 : index
      %get3A_224 = tpu.vector_load %arg16[%get3A_222, %get3A_223] {strides = array<i32>} : memref<16x16xf32, #tpu.memory_space<vmem>>, vector<16xf32>,
      %add3A_225 = arith.addf %add3A_220, %get3A_224 : vector<16xf32>
      %get3A_226 = arith.constant 5 : i32
      %get3A_227 = arith.index_cast %get3A_226 : i32 to index
      %get3A_228 = arith.constant 0 : index
      %get3A_229 = tpu.vector_load %arg16[%get3A_227, %get3A_228] {strides = array<i32>} : memref<16x16xf32, #tpu.memory_space<vmem>>, vector<16xf32>,
      %add3A_230 = arith.addf %add3A_225, %get3A_229 : vector<16xf32>
      %get3A_231 = arith.constant 6 : i32
      %get3A_232 = arith.index_cast %get3A_231 : i32 to index
      %get3A_233 = arith.constant 0 : index
      %get3A_234 = tpu.vector_load %arg16[%get3A_232, %get3A_233] {strides = array<i32>} : memref<16x16xf32, #tpu.memory_space<vmem>>, vector<16xf32>,
      %add3A_235 = arith.addf %add3A_230, %get3A_234 : vector<16xf32>
      %get3A_236 = arith.constant 7 : i32
      %get3A_237 = arith.index_cast %get3A_236 : i32 to index
      %get3A_238 = arith.constant 0 : index
      %get3A_239 = tpu.vector_load %arg16[%get3A_237, %get3A_238] {strides = array<i32>} : memref<16x16xf32, #tpu.memory_space<vmem>>, vector<16xf32>,
      %add3A_240 = arith.addf %add3A_235, %get3A_239 : vector<16xf32>
      %get3A_241 = arith.constant 8 : i32
      %get3A_242 = arith.index_cast %get3A_241 : i32 to index
      %get3A_243 = arith.constant 0 : index
      %get3A_244 = tpu.vector_load %arg16[%get3A_242, %get3A_243] {strides = array<i32>} : memref<16x16xf32, #tpu.memory_space<vmem>>, vector<16xf32>,
      %add3A_245 = arith.addf %add3A_240, %get3A_244 : vector<16xf32>
      %get3A_246 = arith.constant 9 : i32
      %get3A_247 = arith.index_cast %get3A_246 : i32 to index
      %get3A_248 = arith.constant 0 : index
      %get3A_249 = tpu.vector_load %arg16[%get3A_247, %get3A_248] {strides = array<i32>} : memref<16x16xf32, #tpu.memory_space<vmem>>, vector<16xf32>,
      %add3A_250 = arith.addf %add3A_245, %get3A_249 : vector<16xf32>
      %get3A_251 = arith.constant 10 : i32
      %get3A_252 = arith.index_cast %get3A_251 : i32 to index
      %get3A_253 = arith.constant 0 : index
      %get3A_254 = tpu.vector_load %arg16[%get3A_252, %get3A_253] {strides = array<i32>} : memref<16x16xf32, #tpu.memory_space<vmem>>, vector<16xf32>,
      %add3A_255 = arith.addf %add3A_250, %get3A_254 : vector<16xf32>
      %get3A_256 = arith.constant 11 : i32
      %get3A_257 = arith.index_cast %get3A_256 : i32 to index
      %get3A_258 = arith.constant 0 : index
      %get3A_259 = tpu.vector_load %arg16[%get3A_257, %get3A_258] {strides = array<i32>} : memref<16x16xf32, #tpu.memory_space<vmem>>, vector<16xf32>,
      %add3A_260 = arith.addf %add3A_255, %get3A_259 : vector<16xf32>
      %get3A_261 = arith.constant 12 : i32
      %get3A_262 = arith.index_cast %get3A_261 : i32 to index
      %get3A_263 = arith.constant 0 : index
      %get3A_264 = tpu.vector_load %arg16[%get3A_262, %get3A_263] {strides = array<i32>} : memref<16x16xf32, #tpu.memory_space<vmem>>, vector<16xf32>,
      %add3A_265 = arith.addf %add3A_260, %get3A_264 : vector<16xf32>
      %get3A_266 = arith.constant 13 : i32
      %get3A_267 = arith.index_cast %get3A_266 : i32 to index
      %get3A_268 = arith.constant 0 : index
      %get3A_269 = tpu.vector_load %arg16[%get3A_267, %get3A_268] {strides = array<i32>} : memref<16x16xf32, #tpu.memory_space<vmem>>, vector<16xf32>,
      %add3A_270 = arith.addf %add3A_265, %get3A_269 : vector<16xf32>
      %get3A_271 = arith.constant 14 : i32
      %get3A_272 = arith.index_cast %get3A_271 : i32 to index
      %get3A_273 = arith.constant 0 : index
      %get3A_274 = tpu.vector_load %arg16[%get3A_272, %get3A_273] {strides = array<i32>} : memref<16x16xf32, #tpu.memory_space<vmem>>, vector<16xf32>,
      %add3A_275 = arith.addf %add3A_270, %get3A_274 : vector<16xf32>
      %get3A_276 = arith.constant 15 : i32
      %get3A_277 = arith.index_cast %get3A_276 : i32 to index
      %get3A_278 = arith.constant 0 : index
      %get3A_279 = tpu.vector_load %arg16[%get3A_277, %get3A_278] {strides = array<i32>} : memref<16x16xf32, #tpu.memory_space<vmem>>, vector<16xf32>,
      %add3A_280 = arith.addf %add3A_275, %get3A_279 : vector<16xf32>
      %get3A_281 = arith.constant 512 : index
      %get3A_282 = tpu.vector_load %arg15[%get3A_281] {strides = array<i32>} : memref<544xf32, #tpu.memory_space<vmem>>, vector<16xf32>,
      %slice3A_283 = vector.extract_strided_slice %get3A_282 {offsets = [1], sizes = [1], strides = [1]} : vector<16xf32> to vector<1xf32>
      %squeeze3A_284 = vector.extract %slice3A_283[0] : f32 from vector<1xf32>
      %add3A_285 = vector.broadcast %squeeze3A_284 : f32 to vector<16xf32>
      %add3A_286 = arith.addf %add3A_280, %add3A_285 : vector<16xf32>
      %neg3A = arith.constant 0.000000e+00 : f32
      %neg3A_287 = vector.broadcast %neg3A : f32 to vector<16xf32>
      %neg3A_288 = arith.subf %neg3A_287, %add3A_286 : vector<16xf32>
      %exp3A = math.exp %neg3A_288 : vector<16xf32>
      %add3A_289 = arith.constant 1.000000e+00 : f32
      %add3A_290 = vector.broadcast %add3A_289 : f32 to vector<16xf32>
      %add3A_291 = arith.addf %add3A_290, %exp3A : vector<16xf32>
      %div3A = arith.constant 1.000000e+00 : f32
      %div3A_292 = vector.broadcast %div3A : f32 to vector<16xf32>
      %div3A_293 = arith.divf %div3A_292, %add3A_291 : vector<16xf32>
      %swap3A_294 = arith.constant 0 : index
      %swap3A_295 = tpu.vector_load %arg17[%swap3A_294] {strides = array<i32>} : memref<16xf32, #tpu.memory_space<vmem>>, vector<16xf32>,
      tpu.vector_store %arg17[%swap3A_294], %div3A_293 {strides = array<i32>} : memref<16xf32, #tpu.memory_space<vmem>>, vector<16xf32>,
      "tpu.region"() ({
        %run_scoped3A = tpu.sem_alloc : memref<!tpu.dma_semaphore, #tpu.memory_space<semaphore_mem>>
        tpu.enqueue_dma source(%arg17 : memref<16xf32, #tpu.memory_space<vmem>>) target(%arg8 : memref<16xf32, #tpu.memory_space<hbm>>) target_semaphore(%run_scoped3A : memref<!tpu.dma_semaphore, #tpu.memory_space<semaphore_mem>>)
        tpu.wait_dma2 semaphore(%run_scoped3A : memref<!tpu.dma_semaphore, #tpu.memory_space<semaphore_mem>>) src(%arg17 : memref<16xf32, #tpu.memory_space<vmem>>) dst(%arg8 : memref<16xf32, #tpu.memory_space<hbm>>)
        tpu.yield
      }) : () -> ()
    } else {
    }
    return
  }
}

</mosaic_0001>

<sc_bundles>
// kernel: kernel.3.cloned.1.call-start
scs
__scs_entry_jumppad:
0x0: {  	(pc) =	sbr.rel $0x88, $3  }
0x1: {  	(tag) =	ssettag $0x0;
	lr =	simm.s32 $0x1  }
0x2: {  	[smem:$0x3F98] =	sst lr;
	_ =	strace $0xD0000000  }
0x3: {  	_ = 	snop  }
0x4: {  	_ = 	snop  }
0x5: {  	_ = 	snop  }
0x6: {  	_ = 	snop  }
0x7: {  	_ = 	snop  }
__scs_overlays_trampoline_lowered:
0x8: {  	[smem:$0x3FA7] =	sst s0  }
0x9: {  	[smem:$0x3FA8] =	sst s1  }
0xa: {  	[smem:$0x3FA9] =	sst s2  }
0xb: {  	[smem:$0x3FAA] =	sst s3  }
0xc: {  	[smem:$0x3FAB] =	sst s4  }
0xd: {  	[smem:$0x3FAC] =	sst s5  }
0xe: {  	[smem:$0x3FAD] =	sst s6  }
0xf: {  	[smem:$0x3FAE] =	sst s7  }
0x10: {  	[smem:$0x3FAF] =	sst s8  }
0x11: {  	[smem:$0x3FB0] =	sst s9;
	s0 =	simm.s32 @!p0 $0x0  }
0x12: {  	s1 =	sld [smem:$0x3F96];
	s0 =	simm.s32 @p0 $0x1  }
0x13: {  	[smem:$0x3FB1] =	sst s0;
	s0 =	simm.s32 @!p1 $0x0  }
0x14: {  	s2 =	sld [smem:$0x3F95];
	s0 =	simm.s32 @p1 $0x1  }
0x15: {  	[smem:$0x3FB2] =	sst s0;
	s0 =	simm.s32 @!p2 $0x0  }
0x16: {  	s3 =	sld [smem:$0x3FDB];
	s0 =	simm.s32 @p2 $0x1  }
0x17: {  	s4 =	simm.s32 $0x1BF5;
	[smem:$0x3FB4] =	sst s0  }
0x18: {  	s0 =	sld [smem:$0x3F97];
	_ =	swait.ge [sflag:s4], $0x0  }
0x19: {  	s7 =	sld [smem:$0x3F98]  }
0x1a: {  	s8 =	sadd.s32 $0xFFFFE003, lr  }
0x1b: {  	s9 =	sadd.s32 $0xFFFFFEF7, lr;
	s5 =	simm.s32 $0xFFFFFFFF;
	p2 =	slt.u32 s8, $0xFFFFF086  }
0x1c: {  	p1 =	slt.u32 s9, $0xF7A;
	s5 =	simm.s32 @!p2 $0x0  }
0x1d: {  	s5 =	simm.s32 @p1 $0x1;
	p0 =	seq.s32 s7, s2  }
0x1e: {  	s7 =	smul.u32 @!p0 $0xF7A, s2;
	p2 =	seq.s32 @!p0 s5, $0x0  }
0x1f: {  	s9 =	smul.u32 $0xF7A, s1;
	s8 =	simm.s32 @!p0 $0x1BF5;
	p2 =	por !p2, p0  }
0x20: {  	[sflag:s8] =	ssyncset.s32 @!p0 $0xFFFFF086;
	s6 =	sadd.s32 @!p0 s3, s7;
	s7 =	simm.s32 @!p0 $0x108  }
0x21: {  	s3 =	sadd.s32 s3, s9;
	s6 =	sadd.s32 @!p0 $0x88, s6;
	s7 =	simm.s32 @p2 $0x1082  }
0x22: {  	[simem:s7], [sflag:s8] =	dma.local @!p0 [hbm:s6], $0xF7A  }
0x23: {  	s9 =	sor.u32 $0xD0000000, s2;
	s6 =	simm.s32 $0x108;
	_ =	swait.ge @!p0 [sflag:s8], $0x0  }
0x24: {  	s3 =	sadd.s32 $0x88, s3;
	s6 =	simm.s32 @!p1 $0x1082;
	[sflag:s4] =	ssyncset.s32 $0xFFFFF086  }
0x25: {  	[simem:s6], [sflag:s4] =	dma.local [hbm:s3], $0xF7A  }
0x26: {  	[smem:$0x3F98] =	sst s1;
	(tag) =	ssettag s2;
	_ =	strace s9  }
0x27: {  	s1 =	sld [smem:$0x3FA8]  }
0x28: {  	s2 =	sld [smem:$0x3FA9]  }
0x29: {  	s4 =	sld [smem:$0x3FAB]  }
0x2a: {  	p0 =	seq.s32 s5, $0x0;
	s5 =	sld [smem:$0x3FAC]  }
0x2b: {  	s6 =	sld [smem:$0x3FAD]  }
0x2c: {  	s7 =	sld [smem:$0x3FAE]  }
0x2d: {  	s3 =	simm.s32 $0x108;
	s8 =	sld [smem:$0x3FAF]  }
0x2e: {  	s3 =	simm.s32 @!p0 $0x1082;
	s9 =	sld [smem:$0x3FB0]  }
0x2f: {  	lr =	sadd.s32 s0, s3;
	s0 =	sld [smem:$0x3FA7]  }
0x30: {  	s3 =	sld [smem:$0x3FAA]  }
0x31: {  	[smem:$0x3FB3] =	sst s10  }
0x32: {  	s10 =	sld [smem:$0x3FB1];
	_ =	sdelay $0x3  }
0x33: {  	p0 =	seq.s32 s10, $0x1;
	s10 =	sld [smem:$0x3FB3];
	_ =	sdelay $0x3  }
0x34: {  	[smem:$0x3FB3] =	sst s10  }
0x35: {  	s10 =	sld [smem:$0x3FB2];
	_ =	sdelay $0x3  }
0x36: {  	p1 =	seq.s32 s10, $0x1;
	s10 =	sld [smem:$0x3FB3];
	_ =	sdelay $0x3  }
0x37: {  	[smem:$0x3FB3] =	sst s10  }
0x38: {  	s10 =	sld [smem:$0x3FB4]  }
0x39: {  	_ = 	snop;
	(pc) =	sbr.ind lr, $3  }
0x3a: {  	_ = 	snop  }
0x3b: {  	_ = 	snop  }
0x3c: {  	p2 =	seq.s32 s10, $0x1;
	s10 =	sld [smem:$0x3FB3]  }
0x3d: {  	_ =	shalt  }
0x3e: {  	_ =	shalt  }
0x3f: {  	_ =	shalt  }
0x40: {  	_ =	shalt  }
0x41: {  	_ =	shalt  }
0x42: {  	_ =	shalt  }
0x43: {  	_ =	shalt  }
0x44: {  	_ =	shalt  }
0x45: {  	_ =	shalt  }
0x46: {  	_ =	shalt  }
0x47: {  	_ =	shalt  }
0x48: {  	_ =	shalt  }
0x49: {  	_ =	shalt  }
0x4a: {  	_ =	shalt  }
0x4b: {  	_ =	shalt  }
0x4c: {  	_ =	shalt  }
0x4d: {  	_ =	shalt  }
0x4e: {  	_ =	shalt  }
0x4f: {  	_ =	shalt  }
0x50: {  	_ =	shalt  }
0x51: {  	_ =	shalt  }
0x52: {  	_ =	shalt  }
0x53: {  	_ =	shalt  }
0x54: {  	_ =	shalt  }
0x55: {  	_ =	shalt  }
0x56: {  	_ =	shalt  }
0x57: {  	_ =	shalt  }
0x58: {  	_ =	shalt  }
0x59: {  	_ =	shalt  }
0x5a: {  	_ =	shalt  }
0x5b: {  	_ =	shalt  }
0x5c: {  	_ =	shalt  }
0x5d: {  	_ =	shalt  }
0x5e: {  	_ =	shalt  }
0x5f: {  	_ =	shalt  }
0x60: {  	_ =	shalt  }
0x61: {  	_ =	shalt  }
0x62: {  	_ =	shalt  }
0x63: {  	_ =	shalt  }
0x64: {  	_ =	shalt  }
0x65: {  	_ =	shalt  }
0x66: {  	_ =	shalt  }
0x67: {  	_ =	shalt  }
0x68: {  	_ =	shalt  }
0x69: {  	_ =	shalt  }
0x6a: {  	_ =	shalt  }
0x6b: {  	_ =	shalt  }
0x6c: {  	_ =	shalt  }
0x6d: {  	_ =	shalt  }
0x6e: {  	_ =	shalt  }
0x6f: {  	_ =	shalt  }
0x70: {  	_ =	shalt  }
0x71: {  	_ =	shalt  }
0x72: {  	_ =	shalt  }
0x73: {  	_ =	shalt  }
0x74: {  	_ =	shalt  }
0x75: {  	_ =	shalt  }
0x76: {  	_ =	shalt  }
0x77: {  	_ =	shalt  }
0x78: {  	_ =	shalt  }
0x79: {  	_ =	shalt  }
0x7a: {  	_ =	shalt  }
0x7b: {  	_ =	shalt  }
0x7c: {  	_ =	shalt  }
0x7d: {  	_ =	shalt  }
0x7e: {  	_ =	shalt  }
0x7f: {  	_ =	shalt  }
0x80: {  	_ =	shalt  }
0x81: {  	_ =	shalt  }
0x82: {  	_ =	shalt  }
0x83: {  	_ =	shalt  }
0x84: {  	_ =	shalt  }
0x85: {  	_ =	shalt  }
0x86: {  	_ =	shalt  }
0x87: {  	_ =	shalt  }
.Lfunc_end0:
.L_simem_size_0:
called_computation_lowered:
.L_overlay_start_0:
0x88: {  	s0 =	sld [smem:$0x3FD9]  }
0x89: {  	s1 =	sld [smem:$0x3FFE];
	_ =	sdelay $0x3  }
0x8a: {  	s0 =	sadd.s32 s1, s0  }
0x8b: {  	[smem:$0x3FBF] =	sst s0  }
0x8c: {  	_ = 	snop  }
0x8d: {  	s0 =	sld [smem:$0x3FD0];
	(tm) =	ssettm $0x1  }
0x8e: {  	s16 =	sld [smem:$0x3FFB];
	_ =	sdelay $0x3  }
0x8f: {  	_ =	strace s16  }
0x90: {  	s1 =	sld [smem:$0x3FFC];
	_ =	sdelay $0x3  }
0x91: {  	_ =	strace s1  }
0x92: {  	s1 =	sld [smem:$0x3FFD];
	_ =	sdelay $0x3  }
0x93: {  	_ =	strace s1  }
0x94: {  	_ =	strace $0x8FFFFFFF  }
0x95: {  	s17 =	sld [smem:$0x3FDB];
	_ =	sdelay $0x1  }
0x96: {  	s2 =	simm.s32 $_scs_section_size  }
0x97: {  	s3 =	simm.s32 $_size__tile_overlayer_lowered;
	s4 =	simm.s32 $_tile_overlayer_lowered  }
0x98: {  	s20 =	simm.s32 $0x1BFF;
	s19 =	sshll.u32 s4, $0x1;
	s1 =	sadd.s32 s2, s17  }
0x99: {  	s5 =	simm.s32 $0x0;
	s18 =	sshll.u32 s3, $0x1;
	s3 =	sadd.s32 s19, s1  }
0x9a: {  	[timem:s5], [sflag:s20] =	dma.local [hbm:s3], s18  }
0x9b: {  	_ =	swait.ge [sflag:s20], s18  }
0x9c: {  	s2 =	ssub.s32 $0x0, s18;
	[sflag:s20] =	ssyncset.done $0x0  }
0x9d: {  	[sflag:s20] =	ssyncadd.s32 s2;
	_ =	sdelay $0x1  }
0x9e: {  	s21 =	simm.s32 $0x1B8B  }
0x9f: {  	_ =	swait.ge [sflag:s21], $0x1  }
0xa0: {  	[sflag:s21] =	ssyncset.done $0x0  }
0xa1: {  	s23 =	simm.s32 $0x1B8E;
	s22 =	sld [smem:$0x3FFE];
	[sflag:s21] =	ssyncadd.s32 $0xFFFFFFFF  }
0xa2: {  	s24 =	simm.s32 $execute0_lowered;
	[smem:$0x3FD2] =	sst s23  }
0xa3: {  	s3 =	sshll.u32 s24, $0x1;
	_ =	strace $0x80000046;
	[dreg:$0x1] =	wrdreg $0xFFFFFFFF  }
0xa4: {  	s25 =	simm.s32 $_size_execute0_lowered;
	s1 =	sadd.s32 s1, s3;
	[dreg:$0x0] =	wrdreg $0x0  }
0xa5: {  	s3 =	sshll.u32 s25, $0x1;
	[dreg:$0x2] =	wrdreg s1  }
0xa6: {  	[dreg:$0x3] =	wrdreg s3  }
0xa7: {  	[dreg:$0x4] =	wrdreg $0xC0  }
0xa8: {  	_ =	task [dreg:s5], $0x5FFFF  }
0xa9: {  	[dreg:$0x1] =	wrdreg $0xFFFFFFFF  }
0xaa: {  	[dreg:$0x0] =	wrdreg $0x60  }
0xab: {  	[dreg:$0x2] =	wrdreg s22  }
0xac: {  	[dreg:$0x3] =	wrdreg s0  }
0xad: {  	[dreg:$0x4] =	wrdreg $0xDD280  }
0xae: {  	[dreg:$0x5] =	wrdreg $0x9  }
0xaf: {  	_ =	task.clear_ibuf [dreg:s5], $0x6FFFF;
	_ =	strace $0x90000046  }
0xb0: {  	s26 =	simm.s32 $0x9;
	_ =	strace $0x80000048  }
0xb1: {  	_ =	swait.ge [sflag:s26], $0x1  }
0xb2: {  	[sflag:s26] =	ssyncadd.s32 $0xFFFFFFFF  }
0xb3: {  	_ =	strace $0x90000048  }
0xb4: {  	_ =	sfence  }
0xb5: {  	s28 =	sld [smem:$0x0];
	_ =	sdelay $0x1  }
0xb6: {  	s29 =	srdreg.scid  }
0xb7: {  	s30 =	sshll.u32 s29, $0xD;
	s31 =	sshrl.u32 s29, $0x2  }
0xb8: {  	s2 =	sand.u32 $0x4000, s30;
	s1 =	sand.u32 $0x1, s29;
	s0 =	sadd.s32 s31, s28  }
0xb9: {  	s1 =	sor.u32 s2, s1;
	s0 =	sshll.u32 s0, $0x11  }
0xba: {  	s0 =	sor.u32 s0, s1  }
0xbb: {  	s0 =	sadd.s32 $0x8F2B, s0  }
0xbc: {  	[sflag:s0] =	ssyncadd.remote.s32 $0x1  }
0xbd: {  	_ =	sfence.sel $0xFFFF  }
0xbe: {  	[dreg:$0x0] =	wrdreg $0xFFFFFFFF;
	(pc) =	sbr.abs _section_cstart, $3  }
0xbf: {  	[dreg:$0x1] =	wrdreg $0xFFFFFFFF  }
0xc0: {  	_ =	task.clear_ibuf [dreg:s5], $0x2FFFF;
	_ =	strace $0x9FFFFFFF  }
0xc1: {  	(tm) =	ssettm $0x7FFFFFFF  }
tec
execute0_lowered:
.L_overlay_start_1:
0x0: {  	(tag) =	ssettag $0x1  }
0x1: {  	s4 =	rddreg [dreg:$0x0]  }
0x2: {  	s1 =	rddreg [dreg:$0x1]  }
0x3: {  	s2 =	rddreg [dreg:$0x2]  }
0x4: {  	s0 =	rddreg [dreg:$0x3];
	s6 =	simm.s32 $0x0  }
0x5: {  	[smem:$0x7FF] =	sst s6  }
0x6: {  	s5 =	simm.s32 $0x4;
	s3 =	sadd.s32 $0x600, s4;
	_ =	strace $0x80000047  }
0x7: {  	[tilespmem:s6], [sflag:$0x4] =	stream.linear.gather [hbm4b:s3+s6], $0xD0, $0x38;
	[tilespmem:$0xDD38] =	vst v63  }
0x8: {  	_ =	swait.ge [sflag:s5], $0xD0  }
0x9: {  	[sflag:s5] =	ssyncset.done $0x0  }
0xa: {  	s7 =	simm.s32 $0xD0;
	s20 =	sadd.s32 $0x800, s4;
	[sflag:s5] =	ssyncadd.s32 $0xFFFFFF30  }
0xb: {  	[tilespmem:s7], [sflag:$0x4] =	stream.linear.gather [hbm4b:s20+s6], $0xC80, $0x38;
	[tilespmem:$0xDD38] =	vst v63  }
0xc: {  	_ =	swait.ge [sflag:s5], $0xC80  }
0xd: {  	[sflag:s5] =	ssyncset.done $0x0  }
0xe: {  	s8 =	simm.s32 $0xD50;
	s21 =	sadd.s32 $0xDC00, s4;
	[sflag:s5] =	ssyncadd.s32 $0xFFFFF380  }
0xf: {  	[tilespmem:s8], [sflag:$0x4] =	stream.linear.gather [hbm4b:s21+s6], $0x10, $0x38;
	[tilespmem:$0xDD38] =	vst v63  }
0x10: {  	s22 =	simm.s32 $0xD9F8;
	_ =	swait.ge [sflag:s5], $0x10  }
0x11: {  	s23 =	simm.s32 $0x10;
	s3 =	stileid.u32;
	[sflag:s5] =	ssyncset.done $0x0  }
0x12: {  	s11 =	sadd.s32 $0xDE00, s4;
	s10 =	smul.u32 $0xC91, s3;
	[sflag:s5] =	ssyncadd.s32 $0xFFFFFFF0  }
0x13: {  	[tilespmem:s22], [sflag:$0x1] =	stream.linear.gather [hbm4b:s11+s6], $0x220, $0x38;
	[tilespmem:$0xDD38] =	vst v63  }
0x14: {  	s24 =	simm.s32 $0x7560;
	s9 =	sadd.s32 $0xD400, s4;
	s4 =	sadd.s32 s10, s4  }
0x15: {  	[tilespmem:s24], [sflag:$0x2] =	stream.indirect.gather [hbm4b:s9+s23], $0x1, s8, s23, $0xb8;
	[tilespmem:$0xDD38] =	vst v63  }
0x16: {  	s25 =	simm.s32 $0x1;
	s4 =	sadd.s32 $0xA00, s4;
	s5 =	simm.s32 $0x7570  }
0x17: {  	[tilespmem:s5], [sflag:$0x3] =	stream.linear.gather [hbm4b:s4+s6], $0x6488, $0x38;
	[tilespmem:$0xDD38] =	vst v63  }
0x18: {  	_ =	swait.ge [sflag:s25], $0x220  }
0x19: {  	[sflag:s25] =	ssyncset.done $0x0  }
0x1a: {  	s26 =	simm.s32 $0x2;
	[sflag:s25] =	ssyncadd.s32 $0xFFFFFDE0  }
0x1b: {  	_ =	swait.ge [sflag:s26], $0x10  }
0x1c: {  	[sflag:s26] =	ssyncset.done $0x0  }
0x1d: {  	s28 =	simm.s32 $0x3;
	[sflag:s26] =	ssyncadd.s32 $0xFFFFFFF0  }
0x1e: {  	_ =	swait.ge [sflag:s28], $0x6488  }
0x1f: {  	[sflag:s28] =	ssyncset.done $0x0  }
0x20: {  	[sflag:s28] =	ssyncadd.s32 $0xFFFF9B78  }
0x21: {  	v0 =	vld [tilespmem:s7+$0x0];
	_ =	sdelay $0x1  }
0x22: {  	v2 =	vld [tilespmem:$0x7560]  }
0x23: {  	v3 =	vld [tilespmem:$0x7570]  }
0x24: {  	v4 =	vld [tilespmem:$0x8201]  }
0x25: {  	s29 =	simm.s32 $0x0;
	v5 =	vld [tilespmem:$0x8E92];
	v1 =	vand.u32 $0xFFFFFFF8, v0  }
0x26: {  	v6 =	vld [tilespmem:$0x9B23];
	v0 =	vand.u32 $0x7, v0;
	v1 =	vadd.s32 s29, v1  }
0x27: {  	v8 =	vld [tilespmem:$0xA7B4];
	v0 =	vor.u32 v0, v1  }
0x28: {  	v13 =	vld [tilespmem:$0xB445]  }
0x29: {  	s30 =	simm.s32 $0xE0;
	v14 =	vld [tilespmem:$0xC0D6]  }
0x2a: {  	v15 =	vld [tilespmem:s30+$0x0]  }
0x2b: {  	s4 =	simm.s32 $0xD60;
	v10 =	vld [tilespmem:$0xCD67]  }
0x2c: {  	v1 =	vld.idx.msk [tilespmem:v0+s4+$0x0], $0xffff  }
0x2d: {  	v0 =	vld [tilespmem:s5+$0x5807]  }
0x2e: {  	v16 =	vld [tilespmem:s5+$0x10];
	v9 =	vmul.f32 v3, v2;
	v7 =	vmul.f32 v4, v2  }
0x2f: {  	s31 =	simm.s32 $0x80;
	v17 =	vld [tilespmem:s5+$0xCA1];
	v4 =	vmul.f32 v5, v2;
	v3 =	vmul.f32 v6, v2;
	v5 =	vand.u32 $0xFFFFFFF8, v15  }
0x30: {  	v12 =	vld [tilespmem:s5+$0x1932];
	v6 =	vmul.f32 v8, v2;
	v8 =	vand.u32 $0x7, v15;
	v15 =	vadd.s32 s31, v5  }
0x31: {  	v11 =	vld [tilespmem:s5+$0x25C3];
	v5 =	vmul.f32 v13, v2;
	v13 =	vor.u32 v8, v15  }
0x32: {  	v18 =	vmul.f32 v10, v2;
	v10 =	vld [tilespmem:s5+$0x3254];
	v0 =	vmul.f32 v0, v1  }
0x33: {  	s6 =	simm.s32 $0xF0;
	v8 =	vld [tilespmem:s5+$0x3EE5];
	v16 =	vmul.f32 v16, v1  }
0x34: {  	s8 =	simm.s32 $0x3;
	s7 =	simm.s32 $0x2;
	v2 =	vmul.f32 v14, v2;
	v14 =	vld [tilespmem:s6+$0x0];
	v15 =	vmul.f32 v17, v1;
	v0 =	vadd.f32 v0, v18  }
.LBB2_1:
0x35: {  	p0 =	sne.s32 s8, $0xC7;
	v9 =	vadd.f32 v16, v9;
	v12 =	vmul.f32 v12, v1;
	v16 =	vld [tilespmem:s5+$0x4B76]  }
0x36: {  	s5 =	sadd.s32 $0x10, s5;
	v17 =	vld.idx.msk [tilespmem:v13+s4+$0x0], $0xffff;
	v7 =	vadd.f32 v15, v7;
	v11 =	vmul.f32 v11, v1  }
0x37: {  	v15 =	vld [tilespmem:s5+$0x5807];
	v4 =	vadd.f32 v12, v4;
	v10 =	vmul.f32 v10, v1  }
0x38: {  	v18 =	vld [tilespmem:s5+$0x10];
	v3 =	vadd.f32 v11, v3;
	v8 =	vmul.f32 v8, v1  }
0x39: {  	s9 =	sshll.u32 s7, $0x7;
	s7 =	smov.u32 s8;
	v11 =	vand.u32 $0xFFFFFFF8, v14;
	v19 =	vld [tilespmem:s5+$0xCA1];
	v6 =	vadd.f32 v10, v6  }
.Ltmp0:
0x3a: {  	v10 =	vand.u32 $0x7, v14;
	v11 =	vadd.s32 s9, v11;
	v12 =	vld [tilespmem:s5+$0x1932];
	v14 =	vmul.f32 v16, v1;
	(pc) =	sbr.rel @p0 .LBB2_1-.Ltmp0, $4  }
0x3b: {  	v5 =	vadd.f32 v8, v5;
	v13 =	vor.u32 v10, v11;
	v11 =	vld [tilespmem:s5+$0x25C3]  }
0x3c: {  	v1 =	vmov v17;
	v10 =	vld [tilespmem:s5+$0x3254];
	v20 =	vmul.f32 v15, v17;
	v2 =	vadd.f32 v14, v2  }
0x3d: {  	s6 =	sadd.s32 $0x10, s6;
	v16 =	vmul.f32 v18, v1;
	v8 =	vld [tilespmem:s5+$0x3EE5]  }
0x3e: {  	s8 =	sadd.s32 $0x1, s8;
	v14 =	vld [tilespmem:s6+$0x0];
	v15 =	vmul.f32 v19, v1;
	v0 =	vadd.f32 v20, v0  }
0x3f: {  	_ =	sdelay $0x3  }
0x40: {  	s6 =	sshll.u32 s7, $0x7;
	v17 =	vand.u32 $0xFFFFFFF8, v14  }
0x41: {  	v59 =	vand.u32 $0x7, v14;
	v17 =	vadd.s32 s6, v17  }
0x42: {  	v14 =	vor.u32 v59, v17;
	_ =	sdelay $0x1  }
0x43: {  	v13 =	vld.idx.msk [tilespmem:v13+s4+$0x0], $0xffff;
	s14 =	sadd.s32 $0x10, s5  }
0x44: {  	v60 =	vld [tilespmem:s14+$0x10];
	s15 =	sadd.s32 $0x10, s14  }
0x45: {  	v18 =	vld [tilespmem:s15+$0x10]  }
0x46: {  	v14 =	vld.idx.msk [tilespmem:v14+s4+$0x0], $0xffff;
	_ =	sdelay $0x1  }
0x47: {  	v19 =	vld [tilespmem:s14+$0xCA1]  }
0x48: {  	v9 =	vadd.f32 v16, v9;
	v61 =	vmul.f32 v60, v13  }
0x49: {  	v62 =	vld [tilespmem:s15+$0xCA1]  }
0x4a: {  	v9 =	vadd.f32 v61, v9;
	v63 =	vmul.f32 v18, v14;
	_ =	sdelay $0x1  }
0x4b: {  	v7 =	vadd.f32 v15, v7;
	v20 =	vld [tilespmem:s14+$0x1932];
	v21 =	vmul.f32 v19, v13;
	v9 =	vadd.f32 v63, v9;
	_ =	sdelay $0x1  }
0x4c: {  	v22 =	vld [tilespmem:s15+$0x1932];
	v7 =	vadd.f32 v21, v7;
	v17 =	vmul.f32 v62, v14;
	(xrf2) =	vadd.scan.msk.f32 $0xffff, v9  }
0x4d: {  	v23 =	vmul.f32 v12, v1  }
0x4e: {  	v7 =	vadd.f32 v17, v7  }
0x4f: {  	v28 =	vld [tilespmem:$0xDBF8];
	v4 =	vadd.f32 v23, v4;
	v25 =	vmul.f32 v20, v13  }
0x50: {  	v24 =	vld [tilespmem:s14+$0x25C3];
	(xrf2) =	vadd.scan.msk.f32 $0xffff, v7  }
0x51: {  	v30 =	vld [tilespmem:$0x81F1];
	v4 =	vadd.f32 v25, v4;
	v27 =	vmul.f32 v22, v14  }
0x52: {  	v29 =	vld [tilespmem:s15+$0x25C3]  }
0x53: {  	v26 =	vld [tilespmem:s14+$0x3254];
	v11 =	vmul.f32 v11, v1;
	s4 =	sshll.u32 s3, $0x4;
	v7 =	vadd.f32 v27, v4  }
0x54: {  	v31 =	vld [tilespmem:s4+$0xD9F8]  }
0x55: {  	v11 =	vadd.f32 v11, v3;
	v32 =	vld [tilespmem:s4+$0xDAF8];
	v9 =	vmul.f32 v24, v13;
	(xrf2) =	vadd.scan.msk.f32 $0xffff, v7  }
0x56: {  	v33 =	vmul.f32 v10, v1;
	v34 =	vld [tilespmem:s15+$0x3254];
	(v2sf) =	vpush v28, $0x0;
	v35, _, _ =	vpop (xrf2)  }
0x57: {  	v37 =	vld [tilespmem:$0x8E82];
	v36 =	vmul.f32 v29, v14;
	v9 =	vadd.f32 v9, v11;
	(v2sf) =	vpush v35, $0xF  }
0x58: {  	v6 =	vadd.f32 v33, v6;
	(v2sf) =	vpush v30, $0xF  }
0x59: {  	v38 =	vld [tilespmem:s14+$0x3EE5];
	v15 =	vmul.f32 v26, v13;
	v9 =	vadd.f32 v36, v9;
	(v2sf) =	vpush v31, $0x0  }
0x5a: {  	v41 =	vld [tilespmem:s5+$0x4B76];
	v40, _, _ =	vpop (xrf2);
	(v2sf) =	vpush v32, $0x0  }
0x5b: {  	v39 =	vld [tilespmem:s15+$0x3EE5];
	v6 =	vadd.f32 v15, v6;
	v10 =	vmul.f32 v34, v14;
	(xrf2) =	vadd.scan.msk.f32 $0xffff, v9;
	(v2sf) =	vpush v40, $0xF  }
0x5c: {  	v43 =	vld [tilespmem:$0x9B13];
	v8 =	vmul.f32 v8, v1;
	(v2sf) =	vpush v37, $0xF  }
0x5d: {  	v6 =	vadd.f32 v10, v6  }
0x5e: {  	v42 =	vld [tilespmem:s14+$0x4B76];
	v5 =	vadd.f32 v8, v5;
	v7 =	vmul.f32 v38, v13;
	(v2sf) =	vpush v31, $0x1  }
0x5f: {  	(xrf2) =	vadd.scan.msk.f32 $0xffff, v6;
	v46, _, _ =	vpop (xrf2);
	(v2sf) =	vpush v32, $0x1  }
0x60: {  	v44 =	vld [tilespmem:s15+$0x4B76];
	v45 =	vmul.f32 v39, v14;
	v5 =	vadd.f32 v7, v5;
	(v2sf) =	vpush v46, $0xF  }
0x61: {  	v49 =	vld [tilespmem:$0xA7A4];
	v47 =	vmul.f32 v41, v1;
	(v2sf) =	vpush v43, $0xF  }
0x62: {  	v50 =	vld [tilespmem:s14+$0x5807];
	v5 =	vadd.f32 v45, v5;
	(v2sf) =	vpush v31, $0x2  }
0x63: {  	v48 =	vmul.f32 v42, v13;
	v1 =	vadd.f32 v47, v2;
	(v2sf) =	vpush v32, $0x2  }
0x64: {  	v52 =	vld [tilespmem:s15+$0x5807];
	(xrf2) =	vadd.scan.msk.f32 $0xffff, v5  }
0x65: {  	v1 =	vadd.f32 v48, v1;
	v51 =	vmul.f32 v44, v14;
	s5 =	spop (v2sf);
	v53, _, _ =	vpop (xrf2)  }
0x66: {  	(v2sf) =	vpush v53, $0xF;
	s16 =	spop (v2sf)  }
0x67: {  	v54 =	vld [tilespmem:$0xB435];
	v55 =	vmul.f32 v50, v13;
	v1 =	vadd.f32 v51, v1;
	(v2sf) =	vpush v49, $0xF;
	s17 =	spop (v2sf)  }
0x68: {  	(v2sf) =	vpush v31, $0x3;
	s8 =	spop (v2sf)  }
0x69: {  	v0 =	vadd.f32 v55, v0;
	v5 =	vmul.f32 v52, v14;
	(xrf2) =	vadd.scan.msk.f32 $0xffff, v1;
	v56, _, _ =	vpop (xrf2);
	s7 =	smul.f32 s17, s5;
	(v2sf) =	vpush v32, $0x3;
	s9 =	spop (v2sf)  }
0x6a: {  	(v2sf) =	vpush v56, $0xF;
	s10 =	spop (v2sf)  }
0x6b: {  	v57 =	vld [tilespmem:$0xC0C6];
	v0 =	vadd.f32 v5, v0;
	s6 =	sadd.f32 s7, s16;
	s18 =	spop (v2sf)  }
0x6c: {  	(v2sf) =	vpush v54, $0xF;
	s7 =	smul.f32 s18, s5  }
0x6d: {  	(xrf2) =	vadd.scan.msk.f32 $0xffff, v0;
	(v2sf) =	vpush v31, $0x4;
	s6 =	sadd.f32 s6, s8;
	s19 =	spop (v2sf)  }
0x6e: {  	v58, _, _ =	vpop (xrf2);
	(v2sf) =	vpush v32, $0x4;
	s20 =	spop (v2sf);
	s7 =	sadd.f32 s7, s10  }
0x6f: {  	(v2sf) =	vpush v58, $0xF;
	s11 =	spop (v2sf);
	s6 =	smax.f32 s6, $0.0e+00  }
0x70: {  	v59 =	vld [tilespmem:$0xCD57];
	(v2sf) =	vpush v57, $0xF;
	s21 =	spop (v2sf);
	s7 =	sadd.f32 s7, s19  }
0x71: {  	(v2sf) =	vpush v31, $0x5;
	s22 =	spop (v2sf);
	s8 =	smul.f32 s21, s5  }
0x72: {  	s6 =	smul.f32 s6, s9;
	s12 =	spop (v2sf)  }
0x73: {  	v60, _, _ =	vpop (xrf2);
	(v2sf) =	vpush v32, $0x5;
	s7 =	smax.f32 s7, $0.0e+00;
	s8 =	sadd.f32 s8, s11  }
0x74: {  	v61 =	vld [tilespmem:$0xD9E8];
	(v2sf) =	vpush v60, $0xF;
	s6 =	sadd.f32 $0.0e+00, s6;
	s7 =	smul.f32 s7, s20  }
0x75: {  	s23 =	spop (v2sf);
	(v2sf) =	vpush v59, $0xF;
	s8 =	sadd.f32 s8, s22  }
0x76: {  	s6 =	sadd.f32 s7, s6;
	s24 =	spop (v2sf);
	(v2sf) =	vpush v31, $0x6  }
0x77: {  	v62, _, _ =	vpop (xrf2);
	s25 =	spop (v2sf);
	s7 =	smul.f32 s24, s5;
	(v2sf) =	vpush v32, $0x6  }
0x78: {  	s8 =	smax.f32 s8, $0.0e+00;
	s26 =	spop (v2sf);
	(v2sf) =	vpush v62, $0xF  }
0x79: {  	s8 =	smul.f32 s8, s12;
	s13 =	spop (v2sf);
	(v2sf) =	vpush v61, $0xF  }
0x7a: {  	s7 =	sadd.f32 s7, s23  }
0x7b: {  	s28 =	spop (v2sf);
	s6 =	sadd.f32 s8, s6  }
0x7c: {  	s14 =	spop (v2sf);
	s7 =	sadd.f32 s7, s25  }
0x7d: {  	(v2sf) =	vpush v31, $0x7;
	s10 =	smul.f32 s28, s5;
	s29 =	spop (v2sf)  }
0x7e: {  	s30 =	spop (v2sf);
	s7 =	smax.f32 s7, $0.0e+00  }
0x7f: {  	s10 =	sadd.f32 s10, s13;
	s31 =	spop (v2sf)  }
0x80: {  	(v2sf) =	vpush v32, $0x7;
	s7 =	smul.f32 s7, s26;
	s15 =	spop (v2sf)  }
0x81: {  	s16 =	sadd.f32 s10, s14;
	s22 =	smul.f32 s31, s5  }
0x82: {  	s17 =	spop (v2sf);
	s6 =	sadd.f32 s7, s6  }
0x83: {  	s18 =	spop (v2sf);
	s19 =	smax.f32 s16, $0.0e+00  }
0x84: {  	s20 =	spop (v2sf);
	s7 =	smul.f32 s19, s29  }
0x85: {  	s9 =	smul.f32 s20, s5;
	s21 =	spop (v2sf)  }
0x86: {  	s6 =	sadd.f32 s7, s6;
	s23 =	spop (v2sf)  }
0x87: {  	s7 =	sadd.f32 s22, s30;
	s24 =	spop (v2sf)  }
0x88: {  	s9 =	sadd.f32 s9, s18;
	s25 =	spop (v2sf)  }
0x89: {  	s7 =	sadd.f32 s7, s15;
	s5 =	smul.f32 s25, s5  }
0x8a: {  	s9 =	sadd.f32 s9, s21  }
0x8b: {  	s7 =	smax.f32 s7, $0.0e+00;
	s5 =	sadd.f32 s5, s24  }
0x8c: {  	s7 =	smul.f32 s7, s17;
	s26 =	spop (v2sf)  }
0x8d: {  	s9 =	smax.f32 s9, $0.0e+00;
	s5 =	sadd.f32 s5, s26  }
0x8e: {  	s28 =	smul.f32 s9, s23;
	s6 =	sadd.f32 s7, s6  }
0x8f: {  	s29 =	spop (v2sf);
	s5 =	smax.f32 s5, $0.0e+00  }
0x90: {  	s6 =	sadd.f32 s28, s6;
	s5 =	smul.f32 s5, s29  }
0x91: {  	_ = 	snop  }
0x92: {  	s5 =	sadd.f32 s5, s6;
	_ =	sdelay $0x1  }
0x93: {  	v63 =	vmov s5  }
0x94: {  	s4 =	sadd.s32 s4, s2;
	s31 =	simm.s32 $0x4;
	s30 =	simm.s32 $0xDD18;
	[tilespmem:$0xDD18] =	vst v63  }
0x95: {  	[spmem:s4] =	stream.linear.scatter [tilespmem:s30], [sflag:$0x4], $0x10, $0x38;
	[tilespmem:$0xDD38] =	vst v63  }
0x96: {  	_ =	swait.ge [sflag:s31], $0x10  }
0x97: {  	[sflag:s31] =	ssyncset.done $0x0  }
0x98: {  	[sflag:s31] =	ssyncadd.s32 $0xFFFFFFF0  }
0x99: {  	p0 =	sne.s32 s3, $0x0;
	[bflag:$0x0] =	sbarrier.arrive $0xFFFF  }
0x9a: {  	_ =	sfence.sel @p0 $0x180000  }
0x9b: {  	[bflag:$0x0] =	sbarrier.arrive @p0 $0xFFFF  }
0x9c: {  	_ =	strace @p0 $0x90000047  }
0x9d: {  	s3 =	simm.s32 @!p0 $0xDC18;
	[bflag:$0x2] =	sbarrier.arrive @p0 $0xFFFF  }
0x9e: {  	[tilespmem:s3], [sflag:$0x4] =	stream.linear.gather @!p0 [spmem:s2], $0x100, $0x38;
	[tilespmem:$0xDD38] =	vst v63  }
0x9f: {  	s2 =	simm.s32 @!p0 $0x4  }
0xa0: {  	_ =	swait.ge @!p0 [sflag:s2], $0x100  }
0xa1: {  	[sflag:s2] =	ssyncset.done @!p0 $0x0  }
0xa2: {  	[sflag:s2] =	ssyncadd.s32 @!p0 $0xFFFFFF00  }
0xa3: {  	v0 =	vld @!p0 [tilespmem:$0xDC18]  }
0xa4: {  	v1 =	vld @!p0 [tilespmem:$0xDC28];
	_ =	sdelay $0x1  }
0xa5: {  	v2 =	vld @!p0 [tilespmem:$0xDC38];
	_ =	sdelay $0x1  }
0xa6: {  	v3 =	vld @!p0 [tilespmem:$0xDC48]  }
0xa7: {  	v0 =	vadd.f32 @!p0 v1, v0  }
0xa8: {  	v1 =	vld @!p0 [tilespmem:$0xDC58]  }
0xa9: {  	v0 =	vadd.f32 @!p0 v2, v0  }
0xaa: {  	v2 =	vld @!p0 [tilespmem:$0xDC68]  }
0xab: {  	v0 =	vadd.f32 @!p0 v3, v0  }
0xac: {  	v3 =	vld @!p0 [tilespmem:$0xDC78]  }
0xad: {  	v0 =	vadd.f32 @!p0 v1, v0  }
0xae: {  	v1 =	vld @!p0 [tilespmem:$0xDC88]  }
0xaf: {  	v0 =	vadd.f32 @!p0 v2, v0  }
0xb0: {  	v2 =	vld @!p0 [tilespmem:$0xDC98]  }
0xb1: {  	v0 =	vadd.f32 @!p0 v3, v0  }
0xb2: {  	v3 =	vld @!p0 [tilespmem:$0xDCA8]  }
0xb3: {  	v0 =	vadd.f32 @!p0 v1, v0  }
0xb4: {  	v1 =	vld @!p0 [tilespmem:$0xDCB8]  }
0xb5: {  	v0 =	vadd.f32 @!p0 v2, v0  }
0xb6: {  	v2 =	vld @!p0 [tilespmem:$0xDCC8]  }
0xb7: {  	v0 =	vadd.f32 @!p0 v3, v0  }
0xb8: {  	v3 =	vld @!p0 [tilespmem:$0xDCD8]  }
0xb9: {  	v0 =	vadd.f32 @!p0 v1, v0  }
0xba: {  	v1 =	vld @!p0 [tilespmem:$0xDCE8]  }
0xbb: {  	v0 =	vadd.f32 @!p0 v2, v0  }
0xbc: {  	v2 =	vld @!p0 [tilespmem:$0xDCF8]  }
0xbd: {  	v4 =	vld @!p0 [tilespmem:$0xDBF8];
	v0 =	vadd.f32 @!p0 v3, v0  }
0xbe: {  	v3 =	vld @!p0 [tilespmem:$0xDD08]  }
0xbf: {  	v0 =	vadd.f32 @!p0 v1, v0;
	_ =	sdelay $0x1  }
0xc0: {  	v0 =	vadd.f32 @!p0 v2, v0;
	_ =	sdelay $0x1  }
0xc1: {  	v1 =	vbroadcast @!p0 v4, $0x1;
	v0 =	vadd.f32 @!p0 v3, v0;
	_ =	sdelay $0x1  }
0xc2: {  	v0 =	vadd.f32 @!p0 v1, v0;
	_ =	sdelay $0x1  }
0xc3: {  	v0 =	vsub.f32 @!p0 $0.0e+00, v0;
	_ =	sdelay $0x1  }
0xc4: {  	v0 =	vmul.f32 @!p0 $1.442695020e+00, v0;
	_ =	sdelay $0x1  }
0xc5: {  	(erf) = vpow2.f32 @!p0 v0;
	_ =	sdelay $0x8  }
0xc6: {  	v0 =	vpop @!p0 (erf)  }
0xc7: {  	v0 =	vadd.f32 @!p0 $1.000000000e+00, v0;
	_ =	sdelay $0x1  }
0xc8: {  	(erf) = vrcp.f32 @!p0 v0;
	_ =	sdelay $0x8  }
0xc9: {  	v0 =	vpop @!p0 (erf)  }
0xca: {  	s4 =	simm.s32 @!p0 $0xDD18;
	s3 =	simm.s32 @!p0 $0x0;
	[tilespmem:$0xDD18] =	vst @!p0 v0  }
0xcb: {  	[hbm4b:s1+s3] =	stream.linear.scatter @!p0 [tilespmem:s4], [sflag:$0x4], $0x10, $0x38;
	[tilespmem:$0xDD38] =	vst v63  }
0xcc: {  	_ =	swait.ge @!p0 [sflag:s2], $0x10  }
0xcd: {  	[sflag:s2] =	ssyncset.done @!p0 $0x0  }
0xce: {  	[sflag:s2] =	ssyncadd.s32 @!p0 $0xFFFFFFF0  }
0xcf: {  	_ =	sfence.sel @!p0 $0x180000  }
0xd0: {  	[bflag:$0x0] =	sbarrier.arrive @!p0 $0xFFFF  }
0xd1: {  	_ =	strace @!p0 $0x90000047  }
0xd2: {  	s0 =	sadd.s32 @!p0 $0x100000, s0;
	[bflag:$0x2] =	sbarrier.arrive @!p0 $0xFFFF  }
0xd3: {  	[sflag:s0] =	ssyncadd.tile.s32 @!p0 $0x1;
	_ =	shalt  }
.Lfunc_end2:
_tile_overlayer_lowered:
.L_overlay_start_2:
0xd4: {  	(tag) =	ssettag $0x2  }
0xd5: {  	s0 =	rddreg [dreg:$0x0];
	s2 =	stileid.u32  }
0xd6: {  	s1 =	rddreg [dreg:$0x1];
	p0 =	sne.s32 s2, $0x0  }
0xd7: {  	s3 =	rddreg [dreg:$0x2];
	[bflag:$0x3] =	sbarrier.arrive $0xFFFF;
	s2 =	simm.s32 @!p0 $0x1C04  }
0xd8: {  	[timem:s3], [sflag:s2] =	dma.local @!p0 [hbm:s0], s1  }
0xd9: {  	s0 =	simm.s32 @!p0 $0x4  }
0xda: {  	_ =	swait.ge @!p0 [sflag:s0], s1  }
0xdb: {  	s1 =	ssub.s32 @!p0 $0x0, s1;
	[sflag:s0] =	ssyncset.done @!p0 $0x0  }
0xdc: {  	[sflag:s0] =	ssyncadd.s32 @!p0 s1  }
0xdd: {  	[bflag:$0x3] =	sbarrier.arrive $0xFFFF  }
0xde: {  	_ =	shalt  }

</sc_bundles>
